<compile_context>
chip_gen: v7x
topology: tpu7x:2x2x1
jax: 0.10.2.dev20260603
libtpu: 0.0.44.dev20260713+nightly
codegen_flags: <defaults>
</compile_context>

<pallas_src>
import jax
import jax.numpy as jnp
from jax import lax
from jax.experimental import pallas as pl
from jax.experimental.pallas import tpu as pltpu
from jax.experimental.pallas import tpu_sc as plsc

B = 4
N = 100000
E = 3200000
T = 2

NTILES = 16
NSLICES = 8
C = 1024
R = C // 128
NCHUNKS = E // C
NCH = -(-NCHUNKS // NSLICES)
NPAD = 100096
SL = NPAD // NTILES
SL_LAST = N - (NTILES - 1) * SL


def _tile_body(e_s, subs, objs, p3, out, table, sub_buf, obj_buf, p_buf,
               prod_buf, norm_buf, zero_buf, acc0, acc1):
    c = lax.axis_index("c")
    s = lax.axis_index("s")
    lb = s & 1
    b = 2 * c + lb
    slice_id = s >> 1

    def zinit(i, _):
        zero_buf[pl.ds(i * 16, 16)] = jnp.zeros((16,), jnp.float32)
        return 0
    lax.fori_loop(0, SL // 16, zinit, 0)
    off = s * SL
    pltpu.sync_copy(zero_buf, acc0.at[pl.ds(off, SL)])
    pltpu.sync_copy(zero_buf, acc1.at[pl.ds(off, SL)])
    plsc.subcore_barrier()

    for t in range(T):
        src = e_s if t == 0 else out
        pltpu.sync_copy(src.at[pl.ds(b * N, N)], table)

        def chunk_body(g, _):
            m = g * NSLICES + slice_id

            @pl.when(m < NCHUNKS)
            def _():
                base = m * C
                pltpu.sync_copy(subs.at[pl.ds(base, C)], sub_buf)
                pltpu.sync_copy(objs.at[pl.ds(m * R, R)], obj_buf)
                pltpu.sync_copy(p3.at[b, :, pl.ds(base, C)], p_buf)

                def inner(k, _):
                    sub_v = sub_buf[pl.ds(k * 16, 16)]
                    p_v = p_buf[t, pl.ds(k * 16, 16)]
                    g_v = plsc.load_gather(table, [sub_v])
                    prod_buf[pl.ds(k * 16, 16)] = g_v * p_v
                    return 0
                lax.fori_loop(0, C // 16, inner, 0)

                def scat(j, _):
                    vals = prod_buf.at[pl.ds(j * 128, 128)]
                    idx = obj_buf.at[j]

                    @pl.when(lb == 0)
                    def _():
                        pltpu.sync_copy(vals, acc0.at[idx], add=True)

                    @pl.when(lb == 1)
                    def _():
                        pltpu.sync_copy(vals, acc1.at[idx], add=True)
                    return 0
                lax.fori_loop(0, R, scat, 0)
            return 0
        lax.fori_loop(0, NCH, chunk_body, 0)

        plsc.subcore_barrier()

        for lbn in (0, 1):
            acc = acc0 if lbn == 0 else acc1
            bn = 2 * c + lbn
            pltpu.sync_copy(acc.at[pl.ds(off, SL)], norm_buf)
            pltpu.sync_copy(zero_buf, acc.at[pl.ds(off, SL)])

            def nbody(i, _):
                x = norm_buf[pl.ds(i * 16, 16)]
                norm_buf[pl.ds(i * 16, 16)] = x / jnp.maximum(x, 1.0)
                return 0
            lax.fori_loop(0, SL // 16, nbody, 0)

            @pl.when(s < NTILES - 1)
            def _():
                pltpu.sync_copy(norm_buf, out.at[pl.ds(bn * N + off, SL)])

            @pl.when(s == NTILES - 1)
            def _():
                pltpu.sync_copy(norm_buf.at[pl.ds(0, SL_LAST)],
                                out.at[pl.ds(bn * N + off, SL_LAST)])
        plsc.subcore_barrier()


@jax.jit
def kernel(e_s, pair, p):
    subs = pair[:, 0]
    objs = pair[:, 1].reshape(E // 128, 128)
    e_s1 = e_s.reshape(B * N)

    mesh = plsc.VectorSubcoreMesh(core_axis_name="c", subcore_axis_name="s")
    f = pl.kernel(
        _tile_body,
        out_type=jax.ShapeDtypeStruct((B * N,), jnp.float32),
        mesh=mesh,
        compiler_params=pltpu.CompilerParams(needs_layout_passes=False),
        scratch_types=[
            pltpu.VMEM((N,), jnp.float32),
            pltpu.VMEM((C,), jnp.int32),
            pltpu.VMEM((R, 128), jnp.int32),
            pltpu.VMEM((T, C), jnp.float32),
            pltpu.VMEM((C,), jnp.float32),
            pltpu.VMEM((SL,), jnp.float32),
            pltpu.VMEM((SL,), jnp.float32),
            pltpu.VMEM_SHARED((NPAD,), jnp.float32),
            pltpu.VMEM_SHARED((NPAD,), jnp.float32),
        ],
    )
    return f(e_s1, subs, objs, p).reshape(B, N)

# --- scband reference (transcript-rebuilt; emitter-appended) ---
"""Pipeline reference for scband-transfer-net-68882685494029 (READ-ONLY COPY).

The authoritative reference and input builder live on the scoring server;
editing this copy changes nothing except your own understanding.
"""

import jax, jax.numpy as jnp
import numpy as np

B = 4
N = 100000
E = 3200000
T = 2

def setup_inputs(seed: int = 0) -> dict:
    key = jax.random.key(seed)
    k1, k2, k3 = jax.random.split(key, 3)
    e_s = jax.random.uniform(k1, (B, N), dtype=jnp.float32)
    pair = jax.random.randint(k2, (E, 2), 0, N)
    p = jax.random.uniform(k3, (B, T, E), dtype=jnp.float32)
    return {"e_s": e_s, "pair": pair, "p": p}

def reference(e_s, pair, p):
    # Core TransferNet message-passing: iterated `follow` over KB triples.
    # follow(e, pair, p): gather source-entity scores, weight by transfer
    # probability, scatter-add into object entities.
    sub = pair[:, 0]
    obj = pair[:, 1]

    def follow(e, pt):
        obj_p = e[sub] * pt                       # gather + elementwise
        return jnp.zeros_like(e).at[obj].add(obj_p)  # scatter-add

    last_e = e_s
    n_steps = p.shape[1]
    for t in range(n_steps):
        last_e = jax.vmap(follow)(last_e, p[:, t])
        # TransferNet score renormalization (detached divisor)
        m = (last_e > 1.0).astype(last_e.dtype)
        z = jax.lax.stop_gradient(m * last_e + (1.0 - m))
        last_e = last_e / z
    return last_e

if __name__ == "__main__":
    import jax
    _d = setup_inputs()
    print(jax.jit(kernel)(*tuple(_d.values())))

</pallas_src>

<mosaic_0001>
#map = affine_map<(d0, d1) -> (0)>
#map1 = affine_map<(d0, d1) -> (0, 0)>
#map2 = affine_map<(d0, d1) -> (0, 0, 0)>
module attributes {stable_mosaic.version = 14 : i64} {
  func.func @_tile_body(%arg0: i32, %arg1: i32, %arg2: memref<400000xf32, #tpu.memory_space<hbm>>, %arg3: memref<3200000xi32, #tpu.memory_space<hbm>>, %arg4: memref<25000x128xi32, #tpu.memory_space<hbm>>, %arg5: memref<4x2x3200000xf32, #tpu.memory_space<hbm>>, %arg6: memref<400000xf32, #tpu.memory_space<hbm>>, %arg7: memref<100000xf32, #tpu.memory_space<vmem>>, %arg8: memref<1024xi32, #tpu.memory_space<vmem>>, %arg9: memref<8x128xi32, #tpu.memory_space<vmem>>, %arg10: memref<2x1024xf32, #tpu.memory_space<vmem>>, %arg11: memref<1024xf32, #tpu.memory_space<vmem>>, %arg12: memref<6256xf32, #tpu.memory_space<vmem>>, %arg13: memref<6256xf32, #tpu.memory_space<vmem>>, %arg14: memref<100096xf32, #tpu.memory_space<vmem_shared>>, %arg15: memref<100096xf32, #tpu.memory_space<vmem_shared>>) attributes {dimension_semantics = [#tpu.dimension_semantics<core_parallel>, #tpu.dimension_semantics<subcore_parallel>], iteration_bounds = array<i64: 2, 16>, scalar_prefetch = 0 : i64, scratch_operands = 9 : i64, tpu.core_type = #tpu.core_type<sc_vector_subcore>, window_params = [{transform_indices = #map}, {transform_indices = #map}, {transform_indices = #map1}, {transform_indices = #map2}, {transform_indices = #map}]} {
    %and3A = arith.constant 1 : i32
    %and3A_0 = arith.andi %arg1, %and3A : i32
    %mul3A = arith.constant 2 : i32
    %mul3A_1 = arith.muli %mul3A, %arg0 : i32
    %add3A = arith.addi %mul3A_1, %and3A_0 : i32
    %shift_right_arithmetic3A = arith.constant 1 : i32
    %shift_right_arithmetic3A_2 = arith.shrsi %arg1, %shift_right_arithmetic3A : i32
    %scan3A = arith.constant 0 : i32
    %scan3A_3 = arith.constant 0 : i32
    %scan3A_4 = arith.constant 391 : i32
    %scan3A_5 = arith.addi %scan3A_3, %scan3A_4 : i32
    %scan3A_6 = arith.constant 1 : i32
    %scan3A_7 = scf.for %scan3A_113 = %scan3A_3 to %scan3A_5 step %scan3A_6 iter_args(%scan3A_114 = %scan3A) -> (i32)  : i32 {
      %broadcast_in_dim3A = arith.constant 0.000000e+00 : f32
      %broadcast_in_dim3A_115 = vector.broadcast %broadcast_in_dim3A : f32 to vector<16xf32>
      %mul3A_116 = arith.constant 16 : i32
      %mul3A_117 = arith.muli %scan3A_113, %mul3A_116 : i32
      %swap3A = arith.index_cast %mul3A_117 : i32 to index
      %swap3A_118 = tpu.vector_load %arg13[%swap3A] {strides = array<i32>} : memref<6256xf32, #tpu.memory_space<vmem>>, vector<16xf32>,
      tpu.vector_store %arg13[%swap3A], %broadcast_in_dim3A_115 {strides = array<i32>} : memref<6256xf32, #tpu.memory_space<vmem>>, vector<16xf32>,
      %scan3A_119 = arith.constant 0 : i32
      scf.yield %scan3A_119 : i32
    }
    %scan3A_8 = arith.constant 391 : i32
    %mul3A_9 = arith.constant 6256 : i32
    %mul3A_10 = arith.muli %arg1, %mul3A_9 : i32
    "tpu.region"() ({
      %run_scoped3A = tpu.sem_alloc : memref<!tpu.dma_semaphore, #tpu.memory_space<semaphore_mem>>
      %dma_start3A = tpu.memref_slice %arg14[%mul3A_10] : memref<100096xf32, #tpu.memory_space<vmem_shared>> -> memref<6256xf32, #tpu.memory_space<vmem_shared>>
      %dma_start3A_113 = tpu.memref_slice %arg14[%mul3A_10] : memref<100096xf32, #tpu.memory_space<vmem_shared>> -> memref<6256xf32, #tpu.memory_space<vmem_shared>>
      tpu.enqueue_dma source(%arg13 : memref<6256xf32, #tpu.memory_space<vmem>>) target(%dma_start3A_113 : memref<6256xf32, #tpu.memory_space<vmem_shared>>) target_semaphore(%run_scoped3A : memref<!tpu.dma_semaphore, #tpu.memory_space<semaphore_mem>>)
      %dma_wait3A = tpu.memref_slice %arg14[%mul3A_10] : memref<100096xf32, #tpu.memory_space<vmem_shared>> -> memref<6256xf32, #tpu.memory_space<vmem_shared>>
      %dma_wait3A_114 = tpu.memref_slice %arg14[%mul3A_10] : memref<100096xf32, #tpu.memory_space<vmem_shared>> -> memref<6256xf32, #tpu.memory_space<vmem_shared>>
      tpu.wait_dma2 semaphore(%run_scoped3A : memref<!tpu.dma_semaphore, #tpu.memory_space<semaphore_mem>>) src(%arg13 : memref<6256xf32, #tpu.memory_space<vmem>>) dst(%dma_wait3A_114 : memref<6256xf32, #tpu.memory_space<vmem_shared>>)
      tpu.yield
    }) : () -> ()
    "tpu.region"() ({
      %run_scoped3A = tpu.sem_alloc : memref<!tpu.dma_semaphore, #tpu.memory_space<semaphore_mem>>
      %dma_start3A = tpu.memref_slice %arg15[%mul3A_10] : memref<100096xf32, #tpu.memory_space<vmem_shared>> -> memref<6256xf32, #tpu.memory_space<vmem_shared>>
      %dma_start3A_113 = tpu.memref_slice %arg15[%mul3A_10] : memref<100096xf32, #tpu.memory_space<vmem_shared>> -> memref<6256xf32, #tpu.memory_space<vmem_shared>>
      tpu.enqueue_dma source(%arg13 : memref<6256xf32, #tpu.memory_space<vmem>>) target(%dma_start3A_113 : memref<6256xf32, #tpu.memory_space<vmem_shared>>) target_semaphore(%run_scoped3A : memref<!tpu.dma_semaphore, #tpu.memory_space<semaphore_mem>>)
      %dma_wait3A = tpu.memref_slice %arg15[%mul3A_10] : memref<100096xf32, #tpu.memory_space<vmem_shared>> -> memref<6256xf32, #tpu.memory_space<vmem_shared>>
      %dma_wait3A_114 = tpu.memref_slice %arg15[%mul3A_10] : memref<100096xf32, #tpu.memory_space<vmem_shared>> -> memref<6256xf32, #tpu.memory_space<vmem_shared>>
      tpu.wait_dma2 semaphore(%run_scoped3A : memref<!tpu.dma_semaphore, #tpu.memory_space<semaphore_mem>>) src(%arg13 : memref<6256xf32, #tpu.memory_space<vmem>>) dst(%dma_wait3A_114 : memref<6256xf32, #tpu.memory_space<vmem_shared>>)
      tpu.yield
    }) : () -> ()
    %barrier3A = arith.constant 0 : index
    tpu.barrier barrier_id(%barrier3A)
    %mul3A_11 = arith.constant 100000 : i32
    %mul3A_12 = arith.muli %add3A, %mul3A_11 : i32
    "tpu.region"() ({
      %run_scoped3A = tpu.sem_alloc : memref<!tpu.dma_semaphore, #tpu.memory_space<semaphore_mem>>
      %dma_start3A = tpu.memref_slice %arg2[%mul3A_12] : memref<400000xf32, #tpu.memory_space<hbm>> -> memref<100000xf32, #tpu.memory_space<hbm>>
      %dma_start3A_113 = tpu.memref_slice %arg2[%mul3A_12] : memref<400000xf32, #tpu.memory_space<hbm>> -> memref<100000xf32, #tpu.memory_space<hbm>>
      tpu.enqueue_dma source(%dma_start3A_113 : memref<100000xf32, #tpu.memory_space<hbm>>) target(%arg7 : memref<100000xf32, #tpu.memory_space<vmem>>) target_semaphore(%run_scoped3A : memref<!tpu.dma_semaphore, #tpu.memory_space<semaphore_mem>>)
      %dma_wait3A = tpu.memref_slice %arg2[%mul3A_12] : memref<400000xf32, #tpu.memory_space<hbm>> -> memref<100000xf32, #tpu.memory_space<hbm>>
      %dma_wait3A_114 = tpu.memref_slice %arg2[%mul3A_12] : memref<400000xf32, #tpu.memory_space<hbm>> -> memref<100000xf32, #tpu.memory_space<hbm>>
      tpu.wait_dma2 semaphore(%run_scoped3A : memref<!tpu.dma_semaphore, #tpu.memory_space<semaphore_mem>>) src(%dma_wait3A_114 : memref<100000xf32, #tpu.memory_space<hbm>>) dst(%arg7 : memref<100000xf32, #tpu.memory_space<vmem>>)
      tpu.yield
    }) : () -> ()
    %scan3A_13 = arith.constant 0 : i32
    %scan3A_14 = arith.constant 0 : i32
    %scan3A_15 = arith.constant 391 : i32
    %scan3A_16 = arith.addi %scan3A_14, %scan3A_15 : i32
    %scan3A_17 = arith.constant 1 : i32
    %scan3A_18 = scf.for %scan3A_113 = %scan3A_14 to %scan3A_16 step %scan3A_17 iter_args(%scan3A_114 = %scan3A_13) -> (i32)  : i32 {
      %mul3A_115 = arith.constant 8 : i32
      %mul3A_116 = arith.muli %scan3A_113, %mul3A_115 : i32
      %add3A_117 = arith.addi %mul3A_116, %shift_right_arithmetic3A_2 : i32
      %lt3A_118 = arith.constant 3125 : i32
      %lt3A_119 = arith.cmpi slt, %add3A_117, %lt3A_118 : i32
      %convert_element_type3A_120 = arith.extui %lt3A_119 : i1 to i32
      %cond3A_121 = arith.constant 0 : i32
      %cond3A_122 = arith.cmpi ne, %convert_element_type3A_120, %cond3A_121 : i32
      scf.if %cond3A_122 {
        %mul3A_124 = arith.constant 1024 : i32
        %mul3A_125 = arith.muli %add3A_117, %mul3A_124 : i32
        "tpu.region"() ({
          %run_scoped3A = tpu.sem_alloc : memref<!tpu.dma_semaphore, #tpu.memory_space<semaphore_mem>>
          %dma_start3A = tpu.memref_slice %arg3[%mul3A_125] : memref<3200000xi32, #tpu.memory_space<hbm>> -> memref<1024xi32, #tpu.memory_space<hbm>>
          %dma_start3A_142 = tpu.memref_slice %arg3[%mul3A_125] : memref<3200000xi32, #tpu.memory_space<hbm>> -> memref<1024xi32, #tpu.memory_space<hbm>>
          tpu.enqueue_dma source(%dma_start3A_142 : memref<1024xi32, #tpu.memory_space<hbm>>) target(%arg8 : memref<1024xi32, #tpu.memory_space<vmem>>) target_semaphore(%run_scoped3A : memref<!tpu.dma_semaphore, #tpu.memory_space<semaphore_mem>>)
          %dma_wait3A = tpu.memref_slice %arg3[%mul3A_125] : memref<3200000xi32, #tpu.memory_space<hbm>> -> memref<1024xi32, #tpu.memory_space<hbm>>
          %dma_wait3A_143 = tpu.memref_slice %arg3[%mul3A_125] : memref<3200000xi32, #tpu.memory_space<hbm>> -> memref<1024xi32, #tpu.memory_space<hbm>>
          tpu.wait_dma2 semaphore(%run_scoped3A : memref<!tpu.dma_semaphore, #tpu.memory_space<semaphore_mem>>) src(%dma_wait3A_143 : memref<1024xi32, #tpu.memory_space<hbm>>) dst(%arg8 : memref<1024xi32, #tpu.memory_space<vmem>>)
          tpu.yield
        }) : () -> ()
        %mul3A_126 = arith.constant 8 : i32
        %mul3A_127 = arith.muli %add3A_117, %mul3A_126 : i32
        "tpu.region"() ({
          %run_scoped3A = tpu.sem_alloc : memref<!tpu.dma_semaphore, #tpu.memory_space<semaphore_mem>>
          %dma_start3A = arith.constant 0 : i32
          %dma_start3A_142 = tpu.memref_slice %arg4[%mul3A_127, %dma_start3A] : memref<25000x128xi32, #tpu.memory_space<hbm>> -> memref<8x128xi32, #tpu.memory_space<hbm>>
          %dma_start3A_143 = arith.constant 0 : i32
          %dma_start3A_144 = tpu.memref_slice %arg4[%mul3A_127, %dma_start3A_143] : memref<25000x128xi32, #tpu.memory_space<hbm>> -> memref<8x128xi32, #tpu.memory_space<hbm>>
          tpu.enqueue_dma source(%dma_start3A_144 : memref<8x128xi32, #tpu.memory_space<hbm>>) target(%arg9 : memref<8x128xi32, #tpu.memory_space<vmem>>) target_semaphore(%run_scoped3A : memref<!tpu.dma_semaphore, #tpu.memory_space<semaphore_mem>>)
          %dma_wait3A = arith.constant 0 : i32
          %dma_wait3A_145 = tpu.memref_slice %arg4[%mul3A_127, %dma_wait3A] : memref<25000x128xi32, #tpu.memory_space<hbm>> -> memref<8x128xi32, #tpu.memory_space<hbm>>
          %dma_wait3A_146 = arith.constant 0 : i32
          %dma_wait3A_147 = tpu.memref_slice %arg4[%mul3A_127, %dma_wait3A_146] : memref<25000x128xi32, #tpu.memory_space<hbm>> -> memref<8x128xi32, #tpu.memory_space<hbm>>
          tpu.wait_dma2 semaphore(%run_scoped3A : memref<!tpu.dma_semaphore, #tpu.memory_space<semaphore_mem>>) src(%dma_wait3A_147 : memref<8x128xi32, #tpu.memory_space<hbm>>) dst(%arg9 : memref<8x128xi32, #tpu.memory_space<vmem>>)
          tpu.yield
        }) : () -> ()
        "tpu.region"() ({
          %run_scoped3A = tpu.sem_alloc : memref<!tpu.dma_semaphore, #tpu.memory_space<semaphore_mem>>
          %dma_start3A = arith.constant 0 : i32
          %dma_start3A_142 = tpu.memref_slice %arg5[%add3A, %dma_start3A, %mul3A_125] : memref<4x2x3200000xf32, #tpu.memory_space<hbm>> -> memref<1x2x1024xf32, #tpu.memory_space<hbm>>
          %dma_start3A_143 = tpu.memref_squeeze %dma_start3A_142 : memref<1x2x1024xf32, #tpu.memory_space<hbm>> -> memref<2x1024xf32, #tpu.memory_space<hbm>>
          %dma_start3A_144 = arith.constant 0 : i32
          %dma_start3A_145 = tpu.memref_slice %arg5[%add3A, %dma_start3A_144, %mul3A_125] : memref<4x2x3200000xf32, #tpu.memory_space<hbm>> -> memref<1x2x1024xf32, #tpu.memory_space<hbm>>
          %dma_start3A_146 = tpu.memref_squeeze %dma_start3A_145 : memref<1x2x1024xf32, #tpu.memory_space<hbm>> -> memref<2x1024xf32, #tpu.memory_space<hbm>>
          tpu.enqueue_dma source(%dma_start3A_146 : memref<2x1024xf32, #tpu.memory_space<hbm>>) target(%arg10 : memref<2x1024xf32, #tpu.memory_space<vmem>>) target_semaphore(%run_scoped3A : memref<!tpu.dma_semaphore, #tpu.memory_space<semaphore_mem>>)
          %dma_wait3A = arith.constant 0 : i32
          %dma_wait3A_147 = tpu.memref_slice %arg5[%add3A, %dma_wait3A, %mul3A_125] : memref<4x2x3200000xf32, #tpu.memory_space<hbm>> -> memref<1x2x1024xf32, #tpu.memory_space<hbm>>
          %dma_wait3A_148 = tpu.memref_squeeze %dma_wait3A_147 : memref<1x2x1024xf32, #tpu.memory_space<hbm>> -> memref<2x1024xf32, #tpu.memory_space<hbm>>
          %dma_wait3A_149 = arith.constant 0 : i32
          %dma_wait3A_150 = tpu.memref_slice %arg5[%add3A, %dma_wait3A_149, %mul3A_125] : memref<4x2x3200000xf32, #tpu.memory_space<hbm>> -> memref<1x2x1024xf32, #tpu.memory_space<hbm>>
          %dma_wait3A_151 = tpu.memref_squeeze %dma_wait3A_150 : memref<1x2x1024xf32, #tpu.memory_space<hbm>> -> memref<2x1024xf32, #tpu.memory_space<hbm>>
          tpu.wait_dma2 semaphore(%run_scoped3A : memref<!tpu.dma_semaphore, #tpu.memory_space<semaphore_mem>>) src(%dma_wait3A_151 : memref<2x1024xf32, #tpu.memory_space<hbm>>) dst(%arg10 : memref<2x1024xf32, #tpu.memory_space<vmem>>)
          tpu.yield
        }) : () -> ()
        %scan3A_128 = arith.constant 0 : i32
        %scan3A_129 = arith.constant 0 : i32
        %scan3A_130 = arith.constant 64 : i32
        %scan3A_131 = arith.addi %scan3A_129, %scan3A_130 : i32
        %scan3A_132 = arith.constant 1 : i32
        %scan3A_133 = scf.for %scan3A_142 = %scan3A_129 to %scan3A_131 step %scan3A_132 iter_args(%scan3A_143 = %scan3A_128) -> (i32)  : i32 {
          %mul3A_144 = arith.constant 16 : i32
          %mul3A_145 = arith.muli %scan3A_142, %mul3A_144 : i32
          %get3A = arith.index_cast %mul3A_145 : i32 to index
          %get3A_146 = tpu.vector_load %arg8[%get3A] {strides = array<i32>} : memref<1024xi32, #tpu.memory_space<vmem>>, vector<16xi32>,
          %mul3A_147 = arith.constant 16 : i32
          %mul3A_148 = arith.muli %scan3A_142, %mul3A_147 : i32
          %get3A_149 = arith.constant 0 : i32
          %get3A_150 = arith.index_cast %get3A_149 : i32 to index
          %get3A_151 = arith.index_cast %mul3A_148 : i32 to index
          %get3A_152 = tpu.vector_load %arg10[%get3A_150, %get3A_151] {strides = array<i32>} : memref<2x1024xf32, #tpu.memory_space<vmem>>, vector<16xf32>,
          %gather3A = tpu.vector_load_idx %arg7[%get3A_146] : memref<100000xf32, #tpu.memory_space<vmem>>[vector<16xi32>], vector<16xf32>,
          %mul3A_153 = arith.mulf %gather3A, %get3A_152 : vector<16xf32>
          %mul3A_154 = arith.constant 16 : i32
          %mul3A_155 = arith.muli %scan3A_142, %mul3A_154 : i32
          %swap3A = arith.index_cast %mul3A_155 : i32 to index
          %swap3A_156 = tpu.vector_load %arg11[%swap3A] {strides = array<i32>} : memref<1024xf32, #tpu.memory_space<vmem>>, vector<16xf32>,
          tpu.vector_store %arg11[%swap3A], %mul3A_153 {strides = array<i32>} : memref<1024xf32, #tpu.memory_space<vmem>>, vector<16xf32>,
          %scan3A_157 = arith.constant 0 : i32
          scf.yield %scan3A_157 : i32
        }
        %scan3A_134 = arith.constant 64 : i32
        %scan3A_135 = arith.constant 0 : i32
        %scan3A_136 = arith.constant 0 : i32
        %scan3A_137 = arith.constant 8 : i32
        %scan3A_138 = arith.addi %scan3A_136, %scan3A_137 : i32
        %scan3A_139 = arith.constant 1 : i32
        %scan3A_140 = scf.for %scan3A_142 = %scan3A_136 to %scan3A_138 step %scan3A_139 iter_args(%scan3A_143 = %scan3A_135) -> (i32)  : i32 {
          %mul3A_144 = arith.constant 128 : i32
          %mul3A_145 = arith.muli %scan3A_142, %mul3A_144 : i32
          %eq3A_146 = arith.constant 0 : i32
          %eq3A_147 = arith.cmpi eq, %and3A_0, %eq3A_146 : i32
          %convert_element_type3A_148 = arith.extui %eq3A_147 : i1 to i32
          %cond3A_149 = arith.constant 0 : i32
          %cond3A_150 = arith.cmpi ne, %convert_element_type3A_148, %cond3A_149 : i32
          scf.if %cond3A_150 {
            "tpu.region"() ({
              %run_scoped3A = tpu.sem_alloc : memref<!tpu.dma_semaphore, #tpu.memory_space<semaphore_mem>>
              %dma_start3A = tpu.memref_slice %arg11[%mul3A_145] : memref<1024xf32, #tpu.memory_space<vmem>> -> memref<128xf32, #tpu.memory_space<vmem>>
              %dma_start3A_157 = arith.constant 0 : i32
              %dma_start3A_158 = tpu.memref_slice %arg9[%scan3A_142, %dma_start3A_157] : memref<8x128xi32, #tpu.memory_space<vmem>> -> memref<1x128xi32, #tpu.memory_space<vmem>>
              %dma_start3A_159 = tpu.memref_squeeze %dma_start3A_158 : memref<1x128xi32, #tpu.memory_space<vmem>> -> memref<128xi32, #tpu.memory_space<vmem>>
              %dma_start3A_160 = arith.constant 0 : i32
              %dma_start3A_161 = tpu.memref_slice %arg14[%dma_start3A_160] : memref<100096xf32, #tpu.memory_space<vmem_shared>> -> memref<100096xf32, #tpu.memory_space<vmem_shared>>
              tpu.enqueue_indirect_dma source(%dma_start3A : memref<128xf32, #tpu.memory_space<vmem>>) target(%dma_start3A_161 : memref<100096xf32, #tpu.memory_space<vmem_shared>>) offsets(%dma_start3A_159 : memref<128xi32, #tpu.memory_space<vmem>>) semaphore(%run_scoped3A : memref<!tpu.dma_semaphore, #tpu.memory_space<semaphore_mem>>) {add = true}
              %dma_wait3A = tpu.memref_slice %arg11[%mul3A_145] : memref<1024xf32, #tpu.memory_space<vmem>> -> memref<128xf32, #tpu.memory_space<vmem>>
              %dma_wait3A_162 = arith.constant 0 : i32
              %dma_wait3A_163 = tpu.memref_slice %arg9[%scan3A_142, %dma_wait3A_162] : memref<8x128xi32, #tpu.memory_space<vmem>> -> memref<1x128xi32, #tpu.memory_space<vmem>>
              %dma_wait3A_164 = tpu.memref_squeeze %dma_wait3A_163 : memref<1x128xi32, #tpu.memory_space<vmem>> -> memref<128xi32, #tpu.memory_space<vmem>>
              %dma_wait3A_165 = arith.constant 0 : i32
              %dma_wait3A_166 = tpu.memref_slice %arg14[%dma_wait3A_165] : memref<100096xf32, #tpu.memory_space<vmem_shared>> -> memref<100096xf32, #tpu.memory_space<vmem_shared>>
              tpu.wait_indirect_dma semaphore(%run_scoped3A : memref<!tpu.dma_semaphore, #tpu.memory_space<semaphore_mem>>) src(%dma_wait3A : memref<128xf32, #tpu.memory_space<vmem>>) dst(%dma_wait3A_166 : memref<100096xf32, #tpu.memory_space<vmem_shared>>)
              tpu.yield
            }) : () -> ()
          } else {
          }
          %eq3A_151 = arith.constant 1 : i32
          %eq3A_152 = arith.cmpi eq, %and3A_0, %eq3A_151 : i32
          %convert_element_type3A_153 = arith.extui %eq3A_152 : i1 to i32
          %cond3A_154 = arith.constant 0 : i32
          %cond3A_155 = arith.cmpi ne, %convert_element_type3A_153, %cond3A_154 : i32
          scf.if %cond3A_155 {
            "tpu.region"() ({
              %run_scoped3A = tpu.sem_alloc : memref<!tpu.dma_semaphore, #tpu.memory_space<semaphore_mem>>
              %dma_start3A = tpu.memref_slice %arg11[%mul3A_145] : memref<1024xf32, #tpu.memory_space<vmem>> -> memref<128xf32, #tpu.memory_space<vmem>>
              %dma_start3A_157 = arith.constant 0 : i32
              %dma_start3A_158 = tpu.memref_slice %arg9[%scan3A_142, %dma_start3A_157] : memref<8x128xi32, #tpu.memory_space<vmem>> -> memref<1x128xi32, #tpu.memory_space<vmem>>
              %dma_start3A_159 = tpu.memref_squeeze %dma_start3A_158 : memref<1x128xi32, #tpu.memory_space<vmem>> -> memref<128xi32, #tpu.memory_space<vmem>>
              %dma_start3A_160 = arith.constant 0 : i32
              %dma_start3A_161 = tpu.memref_slice %arg15[%dma_start3A_160] : memref<100096xf32, #tpu.memory_space<vmem_shared>> -> memref<100096xf32, #tpu.memory_space<vmem_shared>>
              tpu.enqueue_indirect_dma source(%dma_start3A : memref<128xf32, #tpu.memory_space<vmem>>) target(%dma_start3A_161 : memref<100096xf32, #tpu.memory_space<vmem_shared>>) offsets(%dma_start3A_159 : memref<128xi32, #tpu.memory_space<vmem>>) semaphore(%run_scoped3A : memref<!tpu.dma_semaphore, #tpu.memory_space<semaphore_mem>>) {add = true}
              %dma_wait3A = tpu.memref_slice %arg11[%mul3A_145] : memref<1024xf32, #tpu.memory_space<vmem>> -> memref<128xf32, #tpu.memory_space<vmem>>
              %dma_wait3A_162 = arith.constant 0 : i32
              %dma_wait3A_163 = tpu.memref_slice %arg9[%scan3A_142, %dma_wait3A_162] : memref<8x128xi32, #tpu.memory_space<vmem>> -> memref<1x128xi32, #tpu.memory_space<vmem>>
              %dma_wait3A_164 = tpu.memref_squeeze %dma_wait3A_163 : memref<1x128xi32, #tpu.memory_space<vmem>> -> memref<128xi32, #tpu.memory_space<vmem>>
              %dma_wait3A_165 = arith.constant 0 : i32
              %dma_wait3A_166 = tpu.memref_slice %arg15[%dma_wait3A_165] : memref<100096xf32, #tpu.memory_space<vmem_shared>> -> memref<100096xf32, #tpu.memory_space<vmem_shared>>
              tpu.wait_indirect_dma semaphore(%run_scoped3A : memref<!tpu.dma_semaphore, #tpu.memory_space<semaphore_mem>>) src(%dma_wait3A : memref<128xf32, #tpu.memory_space<vmem>>) dst(%dma_wait3A_166 : memref<100096xf32, #tpu.memory_space<vmem_shared>>)
              tpu.yield
            }) : () -> ()
          } else {
          }
          %scan3A_156 = arith.constant 0 : i32
          scf.yield %scan3A_156 : i32
        }
        %scan3A_141 = arith.constant 8 : i32
      } else {
      }
      %scan3A_123 = arith.constant 0 : i32
      scf.yield %scan3A_123 : i32
    }
    %scan3A_19 = arith.constant 391 : i32
    %barrier3A_20 = arith.constant 0 : index
    tpu.barrier barrier_id(%barrier3A_20)
    %mul3A_21 = arith.constant 2 : i32
    %mul3A_22 = arith.muli %mul3A_21, %arg0 : i32
    %add3A_23 = arith.constant 0 : i32
    %add3A_24 = arith.addi %mul3A_22, %add3A_23 : i32
    "tpu.region"() ({
      %run_scoped3A = tpu.sem_alloc : memref<!tpu.dma_semaphore, #tpu.memory_space<semaphore_mem>>
      %dma_start3A = tpu.memref_slice %arg14[%mul3A_10] : memref<100096xf32, #tpu.memory_space<vmem_shared>> -> memref<6256xf32, #tpu.memory_space<vmem_shared>>
      %dma_start3A_113 = tpu.memref_slice %arg14[%mul3A_10] : memref<100096xf32, #tpu.memory_space<vmem_shared>> -> memref<6256xf32, #tpu.memory_space<vmem_shared>>
      tpu.enqueue_dma source(%dma_start3A_113 : memref<6256xf32, #tpu.memory_space<vmem_shared>>) target(%arg12 : memref<6256xf32, #tpu.memory_space<vmem>>) target_semaphore(%run_scoped3A : memref<!tpu.dma_semaphore, #tpu.memory_space<semaphore_mem>>)
      %dma_wait3A = tpu.memref_slice %arg14[%mul3A_10] : memref<100096xf32, #tpu.memory_space<vmem_shared>> -> memref<6256xf32, #tpu.memory_space<vmem_shared>>
      %dma_wait3A_114 = tpu.memref_slice %arg14[%mul3A_10] : memref<100096xf32, #tpu.memory_space<vmem_shared>> -> memref<6256xf32, #tpu.memory_space<vmem_shared>>
      tpu.wait_dma2 semaphore(%run_scoped3A : memref<!tpu.dma_semaphore, #tpu.memory_space<semaphore_mem>>) src(%dma_wait3A_114 : memref<6256xf32, #tpu.memory_space<vmem_shared>>) dst(%arg12 : memref<6256xf32, #tpu.memory_space<vmem>>)
      tpu.yield
    }) : () -> ()
    "tpu.region"() ({
      %run_scoped3A = tpu.sem_alloc : memref<!tpu.dma_semaphore, #tpu.memory_space<semaphore_mem>>
      %dma_start3A = tpu.memref_slice %arg14[%mul3A_10] : memref<100096xf32, #tpu.memory_space<vmem_shared>> -> memref<6256xf32, #tpu.memory_space<vmem_shared>>
      %dma_start3A_113 = tpu.memref_slice %arg14[%mul3A_10] : memref<100096xf32, #tpu.memory_space<vmem_shared>> -> memref<6256xf32, #tpu.memory_space<vmem_shared>>
      tpu.enqueue_dma source(%arg13 : memref<6256xf32, #tpu.memory_space<vmem>>) target(%dma_start3A_113 : memref<6256xf32, #tpu.memory_space<vmem_shared>>) target_semaphore(%run_scoped3A : memref<!tpu.dma_semaphore, #tpu.memory_space<semaphore_mem>>)
      %dma_wait3A = tpu.memref_slice %arg14[%mul3A_10] : memref<100096xf32, #tpu.memory_space<vmem_shared>> -> memref<6256xf32, #tpu.memory_space<vmem_shared>>
      %dma_wait3A_114 = tpu.memref_slice %arg14[%mul3A_10] : memref<100096xf32, #tpu.memory_space<vmem_shared>> -> memref<6256xf32, #tpu.memory_space<vmem_shared>>
      tpu.wait_dma2 semaphore(%run_scoped3A : memref<!tpu.dma_semaphore, #tpu.memory_space<semaphore_mem>>) src(%arg13 : memref<6256xf32, #tpu.memory_space<vmem>>) dst(%dma_wait3A_114 : memref<6256xf32, #tpu.memory_space<vmem_shared>>)
      tpu.yield
    }) : () -> ()
    %scan3A_25 = arith.constant 0 : i32
    %scan3A_26 = arith.constant 0 : i32
    %scan3A_27 = arith.constant 391 : i32
    %scan3A_28 = arith.addi %scan3A_26, %scan3A_27 : i32
    %scan3A_29 = arith.constant 1 : i32
    %scan3A_30 = scf.for %scan3A_113 = %scan3A_26 to %scan3A_28 step %scan3A_29 iter_args(%scan3A_114 = %scan3A_25) -> (i32)  : i32 {
      %mul3A_115 = arith.constant 16 : i32
      %mul3A_116 = arith.muli %scan3A_113, %mul3A_115 : i32
      %get3A = arith.index_cast %mul3A_116 : i32 to index
      %get3A_117 = tpu.vector_load %arg12[%get3A] {strides = array<i32>} : memref<6256xf32, #tpu.memory_space<vmem>>, vector<16xf32>,
      %max3A = arith.constant 1.000000e+00 : f32
      %max3A_118 = vector.broadcast %max3A : f32 to vector<16xf32>
      %max3A_119 = arith.maximumf %get3A_117, %max3A_118 : vector<16xf32>
      %div3A = arith.divf %get3A_117, %max3A_119 : vector<16xf32>
      %mul3A_120 = arith.constant 16 : i32
      %mul3A_121 = arith.muli %scan3A_113, %mul3A_120 : i32
      %swap3A = arith.index_cast %mul3A_121 : i32 to index
      %swap3A_122 = tpu.vector_load %arg12[%swap3A] {strides = array<i32>} : memref<6256xf32, #tpu.memory_space<vmem>>, vector<16xf32>,
      tpu.vector_store %arg12[%swap3A], %div3A {strides = array<i32>} : memref<6256xf32, #tpu.memory_space<vmem>>, vector<16xf32>,
      %scan3A_123 = arith.constant 0 : i32
      scf.yield %scan3A_123 : i32
    }
    %scan3A_31 = arith.constant 391 : i32
    %lt3A = arith.constant 15 : i32
    %lt3A_32 = arith.cmpi slt, %arg1, %lt3A : i32
    %convert_element_type3A = arith.extui %lt3A_32 : i1 to i32
    %cond3A = arith.constant 0 : i32
    %cond3A_33 = arith.cmpi ne, %convert_element_type3A, %cond3A : i32
    scf.if %cond3A_33 {
      %mul3A_113 = arith.constant 100000 : i32
      %mul3A_114 = arith.muli %add3A_24, %mul3A_113 : i32
      %add3A_115 = arith.addi %mul3A_114, %mul3A_10 : i32
      "tpu.region"() ({
        %run_scoped3A = tpu.sem_alloc : memref<!tpu.dma_semaphore, #tpu.memory_space<semaphore_mem>>
        %dma_start3A = tpu.memref_slice %arg6[%add3A_115] : memref<400000xf32, #tpu.memory_space<hbm>> -> memref<6256xf32, #tpu.memory_space<hbm>>
        %dma_start3A_116 = tpu.memref_slice %arg6[%add3A_115] : memref<400000xf32, #tpu.memory_space<hbm>> -> memref<6256xf32, #tpu.memory_space<hbm>>
        tpu.enqueue_dma source(%arg12 : memref<6256xf32, #tpu.memory_space<vmem>>) target(%dma_start3A_116 : memref<6256xf32, #tpu.memory_space<hbm>>) target_semaphore(%run_scoped3A : memref<!tpu.dma_semaphore, #tpu.memory_space<semaphore_mem>>)
        %dma_wait3A = tpu.memref_slice %arg6[%add3A_115] : memref<400000xf32, #tpu.memory_space<hbm>> -> memref<6256xf32, #tpu.memory_space<hbm>>
        %dma_wait3A_117 = tpu.memref_slice %arg6[%add3A_115] : memref<400000xf32, #tpu.memory_space<hbm>> -> memref<6256xf32, #tpu.memory_space<hbm>>
        tpu.wait_dma2 semaphore(%run_scoped3A : memref<!tpu.dma_semaphore, #tpu.memory_space<semaphore_mem>>) src(%arg12 : memref<6256xf32, #tpu.memory_space<vmem>>) dst(%dma_wait3A_117 : memref<6256xf32, #tpu.memory_space<hbm>>)
        tpu.yield
      }) : () -> ()
    } else {
    }
    %eq3A = arith.constant 15 : i32
    %eq3A_34 = arith.cmpi eq, %arg1, %eq3A : i32
    %convert_element_type3A_35 = arith.extui %eq3A_34 : i1 to i32
    %cond3A_36 = arith.constant 0 : i32
    %cond3A_37 = arith.cmpi ne, %convert_element_type3A_35, %cond3A_36 : i32
    scf.if %cond3A_37 {
      %mul3A_113 = arith.constant 100000 : i32
      %mul3A_114 = arith.muli %add3A_24, %mul3A_113 : i32
      %add3A_115 = arith.addi %mul3A_114, %mul3A_10 : i32
      "tpu.region"() ({
        %run_scoped3A = tpu.sem_alloc : memref<!tpu.dma_semaphore, #tpu.memory_space<semaphore_mem>>
        %dma_start3A = arith.constant 0 : i32
        %dma_start3A_116 = tpu.memref_slice %arg12[%dma_start3A] : memref<6256xf32, #tpu.memory_space<vmem>> -> memref<6160xf32, #tpu.memory_space<vmem>>
        %dma_start3A_117 = tpu.memref_slice %arg6[%add3A_115] : memref<400000xf32, #tpu.memory_space<hbm>> -> memref<6160xf32, #tpu.memory_space<hbm>>
        %dma_start3A_118 = tpu.memref_slice %arg6[%add3A_115] : memref<400000xf32, #tpu.memory_space<hbm>> -> memref<6160xf32, #tpu.memory_space<hbm>>
        %dma_start3A_119 = arith.constant 0 : i32
        %dma_start3A_120 = tpu.memref_slice %arg12[%dma_start3A_119] : memref<6256xf32, #tpu.memory_space<vmem>> -> memref<6160xf32, #tpu.memory_space<vmem>>
        tpu.enqueue_dma source(%dma_start3A_120 : memref<6160xf32, #tpu.memory_space<vmem>>) target(%dma_start3A_118 : memref<6160xf32, #tpu.memory_space<hbm>>) target_semaphore(%run_scoped3A : memref<!tpu.dma_semaphore, #tpu.memory_space<semaphore_mem>>)
        %dma_wait3A = arith.constant 0 : i32
        %dma_wait3A_121 = tpu.memref_slice %arg12[%dma_wait3A] : memref<6256xf32, #tpu.memory_space<vmem>> -> memref<6160xf32, #tpu.memory_space<vmem>>
        %dma_wait3A_122 = tpu.memref_slice %arg6[%add3A_115] : memref<400000xf32, #tpu.memory_space<hbm>> -> memref<6160xf32, #tpu.memory_space<hbm>>
        %dma_wait3A_123 = tpu.memref_slice %arg6[%add3A_115] : memref<400000xf32, #tpu.memory_space<hbm>> -> memref<6160xf32, #tpu.memory_space<hbm>>
        %dma_wait3A_124 = arith.constant 0 : i32
        %dma_wait3A_125 = tpu.memref_slice %arg12[%dma_wait3A_124] : memref<6256xf32, #tpu.memory_space<vmem>> -> memref<6160xf32, #tpu.memory_space<vmem>>
        tpu.wait_dma2 semaphore(%run_scoped3A : memref<!tpu.dma_semaphore, #tpu.memory_space<semaphore_mem>>) src(%dma_wait3A_125 : memref<6160xf32, #tpu.memory_space<vmem>>) dst(%dma_wait3A_123 : memref<6160xf32, #tpu.memory_space<hbm>>)
        tpu.yield
      }) : () -> ()
    } else {
    }
    %mul3A_38 = arith.constant 2 : i32
    %mul3A_39 = arith.muli %mul3A_38, %arg0 : i32
    %add3A_40 = arith.constant 1 : i32
    %add3A_41 = arith.addi %mul3A_39, %add3A_40 : i32
    "tpu.region"() ({
      %run_scoped3A = tpu.sem_alloc : memref<!tpu.dma_semaphore, #tpu.memory_space<semaphore_mem>>
      %dma_start3A = tpu.memref_slice %arg15[%mul3A_10] : memref<100096xf32, #tpu.memory_space<vmem_shared>> -> memref<6256xf32, #tpu.memory_space<vmem_shared>>
      %dma_start3A_113 = tpu.memref_slice %arg15[%mul3A_10] : memref<100096xf32, #tpu.memory_space<vmem_shared>> -> memref<6256xf32, #tpu.memory_space<vmem_shared>>
      tpu.enqueue_dma source(%dma_start3A_113 : memref<6256xf32, #tpu.memory_space<vmem_shared>>) target(%arg12 : memref<6256xf32, #tpu.memory_space<vmem>>) target_semaphore(%run_scoped3A : memref<!tpu.dma_semaphore, #tpu.memory_space<semaphore_mem>>)
      %dma_wait3A = tpu.memref_slice %arg15[%mul3A_10] : memref<100096xf32, #tpu.memory_space<vmem_shared>> -> memref<6256xf32, #tpu.memory_space<vmem_shared>>
      %dma_wait3A_114 = tpu.memref_slice %arg15[%mul3A_10] : memref<100096xf32, #tpu.memory_space<vmem_shared>> -> memref<6256xf32, #tpu.memory_space<vmem_shared>>
      tpu.wait_dma2 semaphore(%run_scoped3A : memref<!tpu.dma_semaphore, #tpu.memory_space<semaphore_mem>>) src(%dma_wait3A_114 : memref<6256xf32, #tpu.memory_space<vmem_shared>>) dst(%arg12 : memref<6256xf32, #tpu.memory_space<vmem>>)
      tpu.yield
    }) : () -> ()
    "tpu.region"() ({
      %run_scoped3A = tpu.sem_alloc : memref<!tpu.dma_semaphore, #tpu.memory_space<semaphore_mem>>
      %dma_start3A = tpu.memref_slice %arg15[%mul3A_10] : memref<100096xf32, #tpu.memory_space<vmem_shared>> -> memref<6256xf32, #tpu.memory_space<vmem_shared>>
      %dma_start3A_113 = tpu.memref_slice %arg15[%mul3A_10] : memref<100096xf32, #tpu.memory_space<vmem_shared>> -> memref<6256xf32, #tpu.memory_space<vmem_shared>>
      tpu.enqueue_dma source(%arg13 : memref<6256xf32, #tpu.memory_space<vmem>>) target(%dma_start3A_113 : memref<6256xf32, #tpu.memory_space<vmem_shared>>) target_semaphore(%run_scoped3A : memref<!tpu.dma_semaphore, #tpu.memory_space<semaphore_mem>>)
      %dma_wait3A = tpu.memref_slice %arg15[%mul3A_10] : memref<100096xf32, #tpu.memory_space<vmem_shared>> -> memref<6256xf32, #tpu.memory_space<vmem_shared>>
      %dma_wait3A_114 = tpu.memref_slice %arg15[%mul3A_10] : memref<100096xf32, #tpu.memory_space<vmem_shared>> -> memref<6256xf32, #tpu.memory_space<vmem_shared>>
      tpu.wait_dma2 semaphore(%run_scoped3A : memref<!tpu.dma_semaphore, #tpu.memory_space<semaphore_mem>>) src(%arg13 : memref<6256xf32, #tpu.memory_space<vmem>>) dst(%dma_wait3A_114 : memref<6256xf32, #tpu.memory_space<vmem_shared>>)
      tpu.yield
    }) : () -> ()
    %scan3A_42 = arith.constant 0 : i32
    %scan3A_43 = arith.constant 0 : i32
    %scan3A_44 = arith.constant 391 : i32
    %scan3A_45 = arith.addi %scan3A_43, %scan3A_44 : i32
    %scan3A_46 = arith.constant 1 : i32
    %scan3A_47 = scf.for %scan3A_113 = %scan3A_43 to %scan3A_45 step %scan3A_46 iter_args(%scan3A_114 = %scan3A_42) -> (i32)  : i32 {
      %mul3A_115 = arith.constant 16 : i32
      %mul3A_116 = arith.muli %scan3A_113, %mul3A_115 : i32
      %get3A = arith.index_cast %mul3A_116 : i32 to index
      %get3A_117 = tpu.vector_load %arg12[%get3A] {strides = array<i32>} : memref<6256xf32, #tpu.memory_space<vmem>>, vector<16xf32>,
      %max3A = arith.constant 1.000000e+00 : f32
      %max3A_118 = vector.broadcast %max3A : f32 to vector<16xf32>
      %max3A_119 = arith.maximumf %get3A_117, %max3A_118 : vector<16xf32>
      %div3A = arith.divf %get3A_117, %max3A_119 : vector<16xf32>
      %mul3A_120 = arith.constant 16 : i32
      %mul3A_121 = arith.muli %scan3A_113, %mul3A_120 : i32
      %swap3A = arith.index_cast %mul3A_121 : i32 to index
      %swap3A_122 = tpu.vector_load %arg12[%swap3A] {strides = array<i32>} : memref<6256xf32, #tpu.memory_space<vmem>>, vector<16xf32>,
      tpu.vector_store %arg12[%swap3A], %div3A {strides = array<i32>} : memref<6256xf32, #tpu.memory_space<vmem>>, vector<16xf32>,
      %scan3A_123 = arith.constant 0 : i32
      scf.yield %scan3A_123 : i32
    }
    %scan3A_48 = arith.constant 391 : i32
    %lt3A_49 = arith.constant 15 : i32
    %lt3A_50 = arith.cmpi slt, %arg1, %lt3A_49 : i32
    %convert_element_type3A_51 = arith.extui %lt3A_50 : i1 to i32
    %cond3A_52 = arith.constant 0 : i32
    %cond3A_53 = arith.cmpi ne, %convert_element_type3A_51, %cond3A_52 : i32
    scf.if %cond3A_53 {
      %mul3A_113 = arith.constant 100000 : i32
      %mul3A_114 = arith.muli %add3A_41, %mul3A_113 : i32
      %add3A_115 = arith.addi %mul3A_114, %mul3A_10 : i32
      "tpu.region"() ({
        %run_scoped3A = tpu.sem_alloc : memref<!tpu.dma_semaphore, #tpu.memory_space<semaphore_mem>>
        %dma_start3A = tpu.memref_slice %arg6[%add3A_115] : memref<400000xf32, #tpu.memory_space<hbm>> -> memref<6256xf32, #tpu.memory_space<hbm>>
        %dma_start3A_116 = tpu.memref_slice %arg6[%add3A_115] : memref<400000xf32, #tpu.memory_space<hbm>> -> memref<6256xf32, #tpu.memory_space<hbm>>
        tpu.enqueue_dma source(%arg12 : memref<6256xf32, #tpu.memory_space<vmem>>) target(%dma_start3A_116 : memref<6256xf32, #tpu.memory_space<hbm>>) target_semaphore(%run_scoped3A : memref<!tpu.dma_semaphore, #tpu.memory_space<semaphore_mem>>)
        %dma_wait3A = tpu.memref_slice %arg6[%add3A_115] : memref<400000xf32, #tpu.memory_space<hbm>> -> memref<6256xf32, #tpu.memory_space<hbm>>
        %dma_wait3A_117 = tpu.memref_slice %arg6[%add3A_115] : memref<400000xf32, #tpu.memory_space<hbm>> -> memref<6256xf32, #tpu.memory_space<hbm>>
        tpu.wait_dma2 semaphore(%run_scoped3A : memref<!tpu.dma_semaphore, #tpu.memory_space<semaphore_mem>>) src(%arg12 : memref<6256xf32, #tpu.memory_space<vmem>>) dst(%dma_wait3A_117 : memref<6256xf32, #tpu.memory_space<hbm>>)
        tpu.yield
      }) : () -> ()
    } else {
    }
    %eq3A_54 = arith.constant 15 : i32
    %eq3A_55 = arith.cmpi eq, %arg1, %eq3A_54 : i32
    %convert_element_type3A_56 = arith.extui %eq3A_55 : i1 to i32
    %cond3A_57 = arith.constant 0 : i32
    %cond3A_58 = arith.cmpi ne, %convert_element_type3A_56, %cond3A_57 : i32
    scf.if %cond3A_58 {
      %mul3A_113 = arith.constant 100000 : i32
      %mul3A_114 = arith.muli %add3A_41, %mul3A_113 : i32
      %add3A_115 = arith.addi %mul3A_114, %mul3A_10 : i32
      "tpu.region"() ({
        %run_scoped3A = tpu.sem_alloc : memref<!tpu.dma_semaphore, #tpu.memory_space<semaphore_mem>>
        %dma_start3A = arith.constant 0 : i32
        %dma_start3A_116 = tpu.memref_slice %arg12[%dma_start3A] : memref<6256xf32, #tpu.memory_space<vmem>> -> memref<6160xf32, #tpu.memory_space<vmem>>
        %dma_start3A_117 = tpu.memref_slice %arg6[%add3A_115] : memref<400000xf32, #tpu.memory_space<hbm>> -> memref<6160xf32, #tpu.memory_space<hbm>>
        %dma_start3A_118 = tpu.memref_slice %arg6[%add3A_115] : memref<400000xf32, #tpu.memory_space<hbm>> -> memref<6160xf32, #tpu.memory_space<hbm>>
        %dma_start3A_119 = arith.constant 0 : i32
        %dma_start3A_120 = tpu.memref_slice %arg12[%dma_start3A_119] : memref<6256xf32, #tpu.memory_space<vmem>> -> memref<6160xf32, #tpu.memory_space<vmem>>
        tpu.enqueue_dma source(%dma_start3A_120 : memref<6160xf32, #tpu.memory_space<vmem>>) target(%dma_start3A_118 : memref<6160xf32, #tpu.memory_space<hbm>>) target_semaphore(%run_scoped3A : memref<!tpu.dma_semaphore, #tpu.memory_space<semaphore_mem>>)
        %dma_wait3A = arith.constant 0 : i32
        %dma_wait3A_121 = tpu.memref_slice %arg12[%dma_wait3A] : memref<6256xf32, #tpu.memory_space<vmem>> -> memref<6160xf32, #tpu.memory_space<vmem>>
        %dma_wait3A_122 = tpu.memref_slice %arg6[%add3A_115] : memref<400000xf32, #tpu.memory_space<hbm>> -> memref<6160xf32, #tpu.memory_space<hbm>>
        %dma_wait3A_123 = tpu.memref_slice %arg6[%add3A_115] : memref<400000xf32, #tpu.memory_space<hbm>> -> memref<6160xf32, #tpu.memory_space<hbm>>
        %dma_wait3A_124 = arith.constant 0 : i32
        %dma_wait3A_125 = tpu.memref_slice %arg12[%dma_wait3A_124] : memref<6256xf32, #tpu.memory_space<vmem>> -> memref<6160xf32, #tpu.memory_space<vmem>>
        tpu.wait_dma2 semaphore(%run_scoped3A : memref<!tpu.dma_semaphore, #tpu.memory_space<semaphore_mem>>) src(%dma_wait3A_125 : memref<6160xf32, #tpu.memory_space<vmem>>) dst(%dma_wait3A_123 : memref<6160xf32, #tpu.memory_space<hbm>>)
        tpu.yield
      }) : () -> ()
    } else {
    }
    %barrier3A_59 = arith.constant 0 : index
    tpu.barrier barrier_id(%barrier3A_59)
    %mul3A_60 = arith.constant 100000 : i32
    %mul3A_61 = arith.muli %add3A, %mul3A_60 : i32
    "tpu.region"() ({
      %run_scoped3A = tpu.sem_alloc : memref<!tpu.dma_semaphore, #tpu.memory_space<semaphore_mem>>
      %dma_start3A = tpu.memref_slice %arg6[%mul3A_61] : memref<400000xf32, #tpu.memory_space<hbm>> -> memref<100000xf32, #tpu.memory_space<hbm>>
      %dma_start3A_113 = tpu.memref_slice %arg6[%mul3A_61] : memref<400000xf32, #tpu.memory_space<hbm>> -> memref<100000xf32, #tpu.memory_space<hbm>>
      tpu.enqueue_dma source(%dma_start3A_113 : memref<100000xf32, #tpu.memory_space<hbm>>) target(%arg7 : memref<100000xf32, #tpu.memory_space<vmem>>) target_semaphore(%run_scoped3A : memref<!tpu.dma_semaphore, #tpu.memory_space<semaphore_mem>>)
      %dma_wait3A = tpu.memref_slice %arg6[%mul3A_61] : memref<400000xf32, #tpu.memory_space<hbm>> -> memref<100000xf32, #tpu.memory_space<hbm>>
      %dma_wait3A_114 = tpu.memref_slice %arg6[%mul3A_61] : memref<400000xf32, #tpu.memory_space<hbm>> -> memref<100000xf32, #tpu.memory_space<hbm>>
      tpu.wait_dma2 semaphore(%run_scoped3A : memref<!tpu.dma_semaphore, #tpu.memory_space<semaphore_mem>>) src(%dma_wait3A_114 : memref<100000xf32, #tpu.memory_space<hbm>>) dst(%arg7 : memref<100000xf32, #tpu.memory_space<vmem>>)
      tpu.yield
    }) : () -> ()
    %scan3A_62 = arith.constant 0 : i32
    %scan3A_63 = arith.constant 0 : i32
    %scan3A_64 = arith.constant 391 : i32
    %scan3A_65 = arith.addi %scan3A_63, %scan3A_64 : i32
    %scan3A_66 = arith.constant 1 : i32
    %scan3A_67 = scf.for %scan3A_113 = %scan3A_63 to %scan3A_65 step %scan3A_66 iter_args(%scan3A_114 = %scan3A_62) -> (i32)  : i32 {
      %mul3A_115 = arith.constant 8 : i32
      %mul3A_116 = arith.muli %scan3A_113, %mul3A_115 : i32
      %add3A_117 = arith.addi %mul3A_116, %shift_right_arithmetic3A_2 : i32
      %lt3A_118 = arith.constant 3125 : i32
      %lt3A_119 = arith.cmpi slt, %add3A_117, %lt3A_118 : i32
      %convert_element_type3A_120 = arith.extui %lt3A_119 : i1 to i32
      %cond3A_121 = arith.constant 0 : i32
      %cond3A_122 = arith.cmpi ne, %convert_element_type3A_120, %cond3A_121 : i32
      scf.if %cond3A_122 {
        %mul3A_124 = arith.constant 1024 : i32
        %mul3A_125 = arith.muli %add3A_117, %mul3A_124 : i32
        "tpu.region"() ({
          %run_scoped3A = tpu.sem_alloc : memref<!tpu.dma_semaphore, #tpu.memory_space<semaphore_mem>>
          %dma_start3A = tpu.memref_slice %arg3[%mul3A_125] : memref<3200000xi32, #tpu.memory_space<hbm>> -> memref<1024xi32, #tpu.memory_space<hbm>>
          %dma_start3A_142 = tpu.memref_slice %arg3[%mul3A_125] : memref<3200000xi32, #tpu.memory_space<hbm>> -> memref<1024xi32, #tpu.memory_space<hbm>>
          tpu.enqueue_dma source(%dma_start3A_142 : memref<1024xi32, #tpu.memory_space<hbm>>) target(%arg8 : memref<1024xi32, #tpu.memory_space<vmem>>) target_semaphore(%run_scoped3A : memref<!tpu.dma_semaphore, #tpu.memory_space<semaphore_mem>>)
          %dma_wait3A = tpu.memref_slice %arg3[%mul3A_125] : memref<3200000xi32, #tpu.memory_space<hbm>> -> memref<1024xi32, #tpu.memory_space<hbm>>
          %dma_wait3A_143 = tpu.memref_slice %arg3[%mul3A_125] : memref<3200000xi32, #tpu.memory_space<hbm>> -> memref<1024xi32, #tpu.memory_space<hbm>>
          tpu.wait_dma2 semaphore(%run_scoped3A : memref<!tpu.dma_semaphore, #tpu.memory_space<semaphore_mem>>) src(%dma_wait3A_143 : memref<1024xi32, #tpu.memory_space<hbm>>) dst(%arg8 : memref<1024xi32, #tpu.memory_space<vmem>>)
          tpu.yield
        }) : () -> ()
        %mul3A_126 = arith.constant 8 : i32
        %mul3A_127 = arith.muli %add3A_117, %mul3A_126 : i32
        "tpu.region"() ({
          %run_scoped3A = tpu.sem_alloc : memref<!tpu.dma_semaphore, #tpu.memory_space<semaphore_mem>>
          %dma_start3A = arith.constant 0 : i32
          %dma_start3A_142 = tpu.memref_slice %arg4[%mul3A_127, %dma_start3A] : memref<25000x128xi32, #tpu.memory_space<hbm>> -> memref<8x128xi32, #tpu.memory_space<hbm>>
          %dma_start3A_143 = arith.constant 0 : i32
          %dma_start3A_144 = tpu.memref_slice %arg4[%mul3A_127, %dma_start3A_143] : memref<25000x128xi32, #tpu.memory_space<hbm>> -> memref<8x128xi32, #tpu.memory_space<hbm>>
          tpu.enqueue_dma source(%dma_start3A_144 : memref<8x128xi32, #tpu.memory_space<hbm>>) target(%arg9 : memref<8x128xi32, #tpu.memory_space<vmem>>) target_semaphore(%run_scoped3A : memref<!tpu.dma_semaphore, #tpu.memory_space<semaphore_mem>>)
          %dma_wait3A = arith.constant 0 : i32
          %dma_wait3A_145 = tpu.memref_slice %arg4[%mul3A_127, %dma_wait3A] : memref<25000x128xi32, #tpu.memory_space<hbm>> -> memref<8x128xi32, #tpu.memory_space<hbm>>
          %dma_wait3A_146 = arith.constant 0 : i32
          %dma_wait3A_147 = tpu.memref_slice %arg4[%mul3A_127, %dma_wait3A_146] : memref<25000x128xi32, #tpu.memory_space<hbm>> -> memref<8x128xi32, #tpu.memory_space<hbm>>
          tpu.wait_dma2 semaphore(%run_scoped3A : memref<!tpu.dma_semaphore, #tpu.memory_space<semaphore_mem>>) src(%dma_wait3A_147 : memref<8x128xi32, #tpu.memory_space<hbm>>) dst(%arg9 : memref<8x128xi32, #tpu.memory_space<vmem>>)
          tpu.yield
        }) : () -> ()
        "tpu.region"() ({
          %run_scoped3A = tpu.sem_alloc : memref<!tpu.dma_semaphore, #tpu.memory_space<semaphore_mem>>
          %dma_start3A = arith.constant 0 : i32
          %dma_start3A_142 = tpu.memref_slice %arg5[%add3A, %dma_start3A, %mul3A_125] : memref<4x2x3200000xf32, #tpu.memory_space<hbm>> -> memref<1x2x1024xf32, #tpu.memory_space<hbm>>
          %dma_start3A_143 = tpu.memref_squeeze %dma_start3A_142 : memref<1x2x1024xf32, #tpu.memory_space<hbm>> -> memref<2x1024xf32, #tpu.memory_space<hbm>>
          %dma_start3A_144 = arith.constant 0 : i32
          %dma_start3A_145 = tpu.memref_slice %arg5[%add3A, %dma_start3A_144, %mul3A_125] : memref<4x2x3200000xf32, #tpu.memory_space<hbm>> -> memref<1x2x1024xf32, #tpu.memory_space<hbm>>
          %dma_start3A_146 = tpu.memref_squeeze %dma_start3A_145 : memref<1x2x1024xf32, #tpu.memory_space<hbm>> -> memref<2x1024xf32, #tpu.memory_space<hbm>>
          tpu.enqueue_dma source(%dma_start3A_146 : memref<2x1024xf32, #tpu.memory_space<hbm>>) target(%arg10 : memref<2x1024xf32, #tpu.memory_space<vmem>>) target_semaphore(%run_scoped3A : memref<!tpu.dma_semaphore, #tpu.memory_space<semaphore_mem>>)
          %dma_wait3A = arith.constant 0 : i32
          %dma_wait3A_147 = tpu.memref_slice %arg5[%add3A, %dma_wait3A, %mul3A_125] : memref<4x2x3200000xf32, #tpu.memory_space<hbm>> -> memref<1x2x1024xf32, #tpu.memory_space<hbm>>
          %dma_wait3A_148 = tpu.memref_squeeze %dma_wait3A_147 : memref<1x2x1024xf32, #tpu.memory_space<hbm>> -> memref<2x1024xf32, #tpu.memory_space<hbm>>
          %dma_wait3A_149 = arith.constant 0 : i32
          %dma_wait3A_150 = tpu.memref_slice %arg5[%add3A, %dma_wait3A_149, %mul3A_125] : memref<4x2x3200000xf32, #tpu.memory_space<hbm>> -> memref<1x2x1024xf32, #tpu.memory_space<hbm>>
          %dma_wait3A_151 = tpu.memref_squeeze %dma_wait3A_150 : memref<1x2x1024xf32, #tpu.memory_space<hbm>> -> memref<2x1024xf32, #tpu.memory_space<hbm>>
          tpu.wait_dma2 semaphore(%run_scoped3A : memref<!tpu.dma_semaphore, #tpu.memory_space<semaphore_mem>>) src(%dma_wait3A_151 : memref<2x1024xf32, #tpu.memory_space<hbm>>) dst(%arg10 : memref<2x1024xf32, #tpu.memory_space<vmem>>)
          tpu.yield
        }) : () -> ()
        %scan3A_128 = arith.constant 0 : i32
        %scan3A_129 = arith.constant 0 : i32
        %scan3A_130 = arith.constant 64 : i32
        %scan3A_131 = arith.addi %scan3A_129, %scan3A_130 : i32
        %scan3A_132 = arith.constant 1 : i32
        %scan3A_133 = scf.for %scan3A_142 = %scan3A_129 to %scan3A_131 step %scan3A_132 iter_args(%scan3A_143 = %scan3A_128) -> (i32)  : i32 {
          %mul3A_144 = arith.constant 16 : i32
          %mul3A_145 = arith.muli %scan3A_142, %mul3A_144 : i32
          %get3A = arith.index_cast %mul3A_145 : i32 to index
          %get3A_146 = tpu.vector_load %arg8[%get3A] {strides = array<i32>} : memref<1024xi32, #tpu.memory_space<vmem>>, vector<16xi32>,
          %mul3A_147 = arith.constant 16 : i32
          %mul3A_148 = arith.muli %scan3A_142, %mul3A_147 : i32
          %get3A_149 = arith.constant 1 : i32
          %get3A_150 = arith.index_cast %get3A_149 : i32 to index
          %get3A_151 = arith.index_cast %mul3A_148 : i32 to index
          %get3A_152 = tpu.vector_load %arg10[%get3A_150, %get3A_151] {strides = array<i32>} : memref<2x1024xf32, #tpu.memory_space<vmem>>, vector<16xf32>,
          %gather3A = tpu.vector_load_idx %arg7[%get3A_146] : memref<100000xf32, #tpu.memory_space<vmem>>[vector<16xi32>], vector<16xf32>,
          %mul3A_153 = arith.mulf %gather3A, %get3A_152 : vector<16xf32>
          %mul3A_154 = arith.constant 16 : i32
          %mul3A_155 = arith.muli %scan3A_142, %mul3A_154 : i32
          %swap3A = arith.index_cast %mul3A_155 : i32 to index
          %swap3A_156 = tpu.vector_load %arg11[%swap3A] {strides = array<i32>} : memref<1024xf32, #tpu.memory_space<vmem>>, vector<16xf32>,
          tpu.vector_store %arg11[%swap3A], %mul3A_153 {strides = array<i32>} : memref<1024xf32, #tpu.memory_space<vmem>>, vector<16xf32>,
          %scan3A_157 = arith.constant 0 : i32
          scf.yield %scan3A_157 : i32
        }
        %scan3A_134 = arith.constant 64 : i32
        %scan3A_135 = arith.constant 0 : i32
        %scan3A_136 = arith.constant 0 : i32
        %scan3A_137 = arith.constant 8 : i32
        %scan3A_138 = arith.addi %scan3A_136, %scan3A_137 : i32
        %scan3A_139 = arith.constant 1 : i32
        %scan3A_140 = scf.for %scan3A_142 = %scan3A_136 to %scan3A_138 step %scan3A_139 iter_args(%scan3A_143 = %scan3A_135) -> (i32)  : i32 {
          %mul3A_144 = arith.constant 128 : i32
          %mul3A_145 = arith.muli %scan3A_142, %mul3A_144 : i32
          %eq3A_146 = arith.constant 0 : i32
          %eq3A_147 = arith.cmpi eq, %and3A_0, %eq3A_146 : i32
          %convert_element_type3A_148 = arith.extui %eq3A_147 : i1 to i32
          %cond3A_149 = arith.constant 0 : i32
          %cond3A_150 = arith.cmpi ne, %convert_element_type3A_148, %cond3A_149 : i32
          scf.if %cond3A_150 {
            "tpu.region"() ({
              %run_scoped3A = tpu.sem_alloc : memref<!tpu.dma_semaphore, #tpu.memory_space<semaphore_mem>>
              %dma_start3A = tpu.memref_slice %arg11[%mul3A_145] : memref<1024xf32, #tpu.memory_space<vmem>> -> memref<128xf32, #tpu.memory_space<vmem>>
              %dma_start3A_157 = arith.constant 0 : i32
              %dma_start3A_158 = tpu.memref_slice %arg9[%scan3A_142, %dma_start3A_157] : memref<8x128xi32, #tpu.memory_space<vmem>> -> memref<1x128xi32, #tpu.memory_space<vmem>>
              %dma_start3A_159 = tpu.memref_squeeze %dma_start3A_158 : memref<1x128xi32, #tpu.memory_space<vmem>> -> memref<128xi32, #tpu.memory_space<vmem>>
              %dma_start3A_160 = arith.constant 0 : i32
              %dma_start3A_161 = tpu.memref_slice %arg14[%dma_start3A_160] : memref<100096xf32, #tpu.memory_space<vmem_shared>> -> memref<100096xf32, #tpu.memory_space<vmem_shared>>
              tpu.enqueue_indirect_dma source(%dma_start3A : memref<128xf32, #tpu.memory_space<vmem>>) target(%dma_start3A_161 : memref<100096xf32, #tpu.memory_space<vmem_shared>>) offsets(%dma_start3A_159 : memref<128xi32, #tpu.memory_space<vmem>>) semaphore(%run_scoped3A : memref<!tpu.dma_semaphore, #tpu.memory_space<semaphore_mem>>) {add = true}
              %dma_wait3A = tpu.memref_slice %arg11[%mul3A_145] : memref<1024xf32, #tpu.memory_space<vmem>> -> memref<128xf32, #tpu.memory_space<vmem>>
              %dma_wait3A_162 = arith.constant 0 : i32
              %dma_wait3A_163 = tpu.memref_slice %arg9[%scan3A_142, %dma_wait3A_162] : memref<8x128xi32, #tpu.memory_space<vmem>> -> memref<1x128xi32, #tpu.memory_space<vmem>>
              %dma_wait3A_164 = tpu.memref_squeeze %dma_wait3A_163 : memref<1x128xi32, #tpu.memory_space<vmem>> -> memref<128xi32, #tpu.memory_space<vmem>>
              %dma_wait3A_165 = arith.constant 0 : i32
              %dma_wait3A_166 = tpu.memref_slice %arg14[%dma_wait3A_165] : memref<100096xf32, #tpu.memory_space<vmem_shared>> -> memref<100096xf32, #tpu.memory_space<vmem_shared>>
              tpu.wait_indirect_dma semaphore(%run_scoped3A : memref<!tpu.dma_semaphore, #tpu.memory_space<semaphore_mem>>) src(%dma_wait3A : memref<128xf32, #tpu.memory_space<vmem>>) dst(%dma_wait3A_166 : memref<100096xf32, #tpu.memory_space<vmem_shared>>)
              tpu.yield
            }) : () -> ()
          } else {
          }
          %eq3A_151 = arith.constant 1 : i32
          %eq3A_152 = arith.cmpi eq, %and3A_0, %eq3A_151 : i32
          %convert_element_type3A_153 = arith.extui %eq3A_152 : i1 to i32
          %cond3A_154 = arith.constant 0 : i32
          %cond3A_155 = arith.cmpi ne, %convert_element_type3A_153, %cond3A_154 : i32
          scf.if %cond3A_155 {
            "tpu.region"() ({
              %run_scoped3A = tpu.sem_alloc : memref<!tpu.dma_semaphore, #tpu.memory_space<semaphore_mem>>
              %dma_start3A = tpu.memref_slice %arg11[%mul3A_145] : memref<1024xf32, #tpu.memory_space<vmem>> -> memref<128xf32, #tpu.memory_space<vmem>>
              %dma_start3A_157 = arith.constant 0 : i32
              %dma_start3A_158 = tpu.memref_slice %arg9[%scan3A_142, %dma_start3A_157] : memref<8x128xi32, #tpu.memory_space<vmem>> -> memref<1x128xi32, #tpu.memory_space<vmem>>
              %dma_start3A_159 = tpu.memref_squeeze %dma_start3A_158 : memref<1x128xi32, #tpu.memory_space<vmem>> -> memref<128xi32, #tpu.memory_space<vmem>>
              %dma_start3A_160 = arith.constant 0 : i32
              %dma_start3A_161 = tpu.memref_slice %arg15[%dma_start3A_160] : memref<100096xf32, #tpu.memory_space<vmem_shared>> -> memref<100096xf32, #tpu.memory_space<vmem_shared>>
              tpu.enqueue_indirect_dma source(%dma_start3A : memref<128xf32, #tpu.memory_space<vmem>>) target(%dma_start3A_161 : memref<100096xf32, #tpu.memory_space<vmem_shared>>) offsets(%dma_start3A_159 : memref<128xi32, #tpu.memory_space<vmem>>) semaphore(%run_scoped3A : memref<!tpu.dma_semaphore, #tpu.memory_space<semaphore_mem>>) {add = true}
              %dma_wait3A = tpu.memref_slice %arg11[%mul3A_145] : memref<1024xf32, #tpu.memory_space<vmem>> -> memref<128xf32, #tpu.memory_space<vmem>>
              %dma_wait3A_162 = arith.constant 0 : i32
              %dma_wait3A_163 = tpu.memref_slice %arg9[%scan3A_142, %dma_wait3A_162] : memref<8x128xi32, #tpu.memory_space<vmem>> -> memref<1x128xi32, #tpu.memory_space<vmem>>
              %dma_wait3A_164 = tpu.memref_squeeze %dma_wait3A_163 : memref<1x128xi32, #tpu.memory_space<vmem>> -> memref<128xi32, #tpu.memory_space<vmem>>
              %dma_wait3A_165 = arith.constant 0 : i32
              %dma_wait3A_166 = tpu.memref_slice %arg15[%dma_wait3A_165] : memref<100096xf32, #tpu.memory_space<vmem_shared>> -> memref<100096xf32, #tpu.memory_space<vmem_shared>>
              tpu.wait_indirect_dma semaphore(%run_scoped3A : memref<!tpu.dma_semaphore, #tpu.memory_space<semaphore_mem>>) src(%dma_wait3A : memref<128xf32, #tpu.memory_space<vmem>>) dst(%dma_wait3A_166 : memref<100096xf32, #tpu.memory_space<vmem_shared>>)
              tpu.yield
            }) : () -> ()
          } else {
          }
          %scan3A_156 = arith.constant 0 : i32
          scf.yield %scan3A_156 : i32
        }
        %scan3A_141 = arith.constant 8 : i32
      } else {
      }
      %scan3A_123 = arith.constant 0 : i32
      scf.yield %scan3A_123 : i32
    }
    %scan3A_68 = arith.constant 391 : i32
    %barrier3A_69 = arith.constant 0 : index
    tpu.barrier barrier_id(%barrier3A_69)
    %mul3A_70 = arith.constant 2 : i32
    %mul3A_71 = arith.muli %mul3A_70, %arg0 : i32
    %add3A_72 = arith.constant 0 : i32
    %add3A_73 = arith.addi %mul3A_71, %add3A_72 : i32
    "tpu.region"() ({
      %run_scoped3A = tpu.sem_alloc : memref<!tpu.dma_semaphore, #tpu.memory_space<semaphore_mem>>
      %dma_start3A = tpu.memref_slice %arg14[%mul3A_10] : memref<100096xf32, #tpu.memory_space<vmem_shared>> -> memref<6256xf32, #tpu.memory_space<vmem_shared>>
      %dma_start3A_113 = tpu.memref_slice %arg14[%mul3A_10] : memref<100096xf32, #tpu.memory_space<vmem_shared>> -> memref<6256xf32, #tpu.memory_space<vmem_shared>>
      tpu.enqueue_dma source(%dma_start3A_113 : memref<6256xf32, #tpu.memory_space<vmem_shared>>) target(%arg12 : memref<6256xf32, #tpu.memory_space<vmem>>) target_semaphore(%run_scoped3A : memref<!tpu.dma_semaphore, #tpu.memory_space<semaphore_mem>>)
      %dma_wait3A = tpu.memref_slice %arg14[%mul3A_10] : memref<100096xf32, #tpu.memory_space<vmem_shared>> -> memref<6256xf32, #tpu.memory_space<vmem_shared>>
      %dma_wait3A_114 = tpu.memref_slice %arg14[%mul3A_10] : memref<100096xf32, #tpu.memory_space<vmem_shared>> -> memref<6256xf32, #tpu.memory_space<vmem_shared>>
      tpu.wait_dma2 semaphore(%run_scoped3A : memref<!tpu.dma_semaphore, #tpu.memory_space<semaphore_mem>>) src(%dma_wait3A_114 : memref<6256xf32, #tpu.memory_space<vmem_shared>>) dst(%arg12 : memref<6256xf32, #tpu.memory_space<vmem>>)
      tpu.yield
    }) : () -> ()
    "tpu.region"() ({
      %run_scoped3A = tpu.sem_alloc : memref<!tpu.dma_semaphore, #tpu.memory_space<semaphore_mem>>
      %dma_start3A = tpu.memref_slice %arg14[%mul3A_10] : memref<100096xf32, #tpu.memory_space<vmem_shared>> -> memref<6256xf32, #tpu.memory_space<vmem_shared>>
      %dma_start3A_113 = tpu.memref_slice %arg14[%mul3A_10] : memref<100096xf32, #tpu.memory_space<vmem_shared>> -> memref<6256xf32, #tpu.memory_space<vmem_shared>>
      tpu.enqueue_dma source(%arg13 : memref<6256xf32, #tpu.memory_space<vmem>>) target(%dma_start3A_113 : memref<6256xf32, #tpu.memory_space<vmem_shared>>) target_semaphore(%run_scoped3A : memref<!tpu.dma_semaphore, #tpu.memory_space<semaphore_mem>>)
      %dma_wait3A = tpu.memref_slice %arg14[%mul3A_10] : memref<100096xf32, #tpu.memory_space<vmem_shared>> -> memref<6256xf32, #tpu.memory_space<vmem_shared>>
      %dma_wait3A_114 = tpu.memref_slice %arg14[%mul3A_10] : memref<100096xf32, #tpu.memory_space<vmem_shared>> -> memref<6256xf32, #tpu.memory_space<vmem_shared>>
      tpu.wait_dma2 semaphore(%run_scoped3A : memref<!tpu.dma_semaphore, #tpu.memory_space<semaphore_mem>>) src(%arg13 : memref<6256xf32, #tpu.memory_space<vmem>>) dst(%dma_wait3A_114 : memref<6256xf32, #tpu.memory_space<vmem_shared>>)
      tpu.yield
    }) : () -> ()
    %scan3A_74 = arith.constant 0 : i32
    %scan3A_75 = arith.constant 0 : i32
    %scan3A_76 = arith.constant 391 : i32
    %scan3A_77 = arith.addi %scan3A_75, %scan3A_76 : i32
    %scan3A_78 = arith.constant 1 : i32
    %scan3A_79 = scf.for %scan3A_113 = %scan3A_75 to %scan3A_77 step %scan3A_78 iter_args(%scan3A_114 = %scan3A_74) -> (i32)  : i32 {
      %mul3A_115 = arith.constant 16 : i32
      %mul3A_116 = arith.muli %scan3A_113, %mul3A_115 : i32
      %get3A = arith.index_cast %mul3A_116 : i32 to index
      %get3A_117 = tpu.vector_load %arg12[%get3A] {strides = array<i32>} : memref<6256xf32, #tpu.memory_space<vmem>>, vector<16xf32>,
      %max3A = arith.constant 1.000000e+00 : f32
      %max3A_118 = vector.broadcast %max3A : f32 to vector<16xf32>
      %max3A_119 = arith.maximumf %get3A_117, %max3A_118 : vector<16xf32>
      %div3A = arith.divf %get3A_117, %max3A_119 : vector<16xf32>
      %mul3A_120 = arith.constant 16 : i32
      %mul3A_121 = arith.muli %scan3A_113, %mul3A_120 : i32
      %swap3A = arith.index_cast %mul3A_121 : i32 to index
      %swap3A_122 = tpu.vector_load %arg12[%swap3A] {strides = array<i32>} : memref<6256xf32, #tpu.memory_space<vmem>>, vector<16xf32>,
      tpu.vector_store %arg12[%swap3A], %div3A {strides = array<i32>} : memref<6256xf32, #tpu.memory_space<vmem>>, vector<16xf32>,
      %scan3A_123 = arith.constant 0 : i32
      scf.yield %scan3A_123 : i32
    }
    %scan3A_80 = arith.constant 391 : i32
    %lt3A_81 = arith.constant 15 : i32
    %lt3A_82 = arith.cmpi slt, %arg1, %lt3A_81 : i32
    %convert_element_type3A_83 = arith.extui %lt3A_82 : i1 to i32
    %cond3A_84 = arith.constant 0 : i32
    %cond3A_85 = arith.cmpi ne, %convert_element_type3A_83, %cond3A_84 : i32
    scf.if %cond3A_85 {
      %mul3A_113 = arith.constant 100000 : i32
      %mul3A_114 = arith.muli %add3A_73, %mul3A_113 : i32
      %add3A_115 = arith.addi %mul3A_114, %mul3A_10 : i32
      "tpu.region"() ({
        %run_scoped3A = tpu.sem_alloc : memref<!tpu.dma_semaphore, #tpu.memory_space<semaphore_mem>>
        %dma_start3A = tpu.memref_slice %arg6[%add3A_115] : memref<400000xf32, #tpu.memory_space<hbm>> -> memref<6256xf32, #tpu.memory_space<hbm>>
        %dma_start3A_116 = tpu.memref_slice %arg6[%add3A_115] : memref<400000xf32, #tpu.memory_space<hbm>> -> memref<6256xf32, #tpu.memory_space<hbm>>
        tpu.enqueue_dma source(%arg12 : memref<6256xf32, #tpu.memory_space<vmem>>) target(%dma_start3A_116 : memref<6256xf32, #tpu.memory_space<hbm>>) target_semaphore(%run_scoped3A : memref<!tpu.dma_semaphore, #tpu.memory_space<semaphore_mem>>)
        %dma_wait3A = tpu.memref_slice %arg6[%add3A_115] : memref<400000xf32, #tpu.memory_space<hbm>> -> memref<6256xf32, #tpu.memory_space<hbm>>
        %dma_wait3A_117 = tpu.memref_slice %arg6[%add3A_115] : memref<400000xf32, #tpu.memory_space<hbm>> -> memref<6256xf32, #tpu.memory_space<hbm>>
        tpu.wait_dma2 semaphore(%run_scoped3A : memref<!tpu.dma_semaphore, #tpu.memory_space<semaphore_mem>>) src(%arg12 : memref<6256xf32, #tpu.memory_space<vmem>>) dst(%dma_wait3A_117 : memref<6256xf32, #tpu.memory_space<hbm>>)
        tpu.yield
      }) : () -> ()
    } else {
    }
    %eq3A_86 = arith.constant 15 : i32
    %eq3A_87 = arith.cmpi eq, %arg1, %eq3A_86 : i32
    %convert_element_type3A_88 = arith.extui %eq3A_87 : i1 to i32
    %cond3A_89 = arith.constant 0 : i32
    %cond3A_90 = arith.cmpi ne, %convert_element_type3A_88, %cond3A_89 : i32
    scf.if %cond3A_90 {
      %mul3A_113 = arith.constant 100000 : i32
      %mul3A_114 = arith.muli %add3A_73, %mul3A_113 : i32
      %add3A_115 = arith.addi %mul3A_114, %mul3A_10 : i32
      "tpu.region"() ({
        %run_scoped3A = tpu.sem_alloc : memref<!tpu.dma_semaphore, #tpu.memory_space<semaphore_mem>>
        %dma_start3A = arith.constant 0 : i32
        %dma_start3A_116 = tpu.memref_slice %arg12[%dma_start3A] : memref<6256xf32, #tpu.memory_space<vmem>> -> memref<6160xf32, #tpu.memory_space<vmem>>
        %dma_start3A_117 = tpu.memref_slice %arg6[%add3A_115] : memref<400000xf32, #tpu.memory_space<hbm>> -> memref<6160xf32, #tpu.memory_space<hbm>>
        %dma_start3A_118 = tpu.memref_slice %arg6[%add3A_115] : memref<400000xf32, #tpu.memory_space<hbm>> -> memref<6160xf32, #tpu.memory_space<hbm>>
        %dma_start3A_119 = arith.constant 0 : i32
        %dma_start3A_120 = tpu.memref_slice %arg12[%dma_start3A_119] : memref<6256xf32, #tpu.memory_space<vmem>> -> memref<6160xf32, #tpu.memory_space<vmem>>
        tpu.enqueue_dma source(%dma_start3A_120 : memref<6160xf32, #tpu.memory_space<vmem>>) target(%dma_start3A_118 : memref<6160xf32, #tpu.memory_space<hbm>>) target_semaphore(%run_scoped3A : memref<!tpu.dma_semaphore, #tpu.memory_space<semaphore_mem>>)
        %dma_wait3A = arith.constant 0 : i32
        %dma_wait3A_121 = tpu.memref_slice %arg12[%dma_wait3A] : memref<6256xf32, #tpu.memory_space<vmem>> -> memref<6160xf32, #tpu.memory_space<vmem>>
        %dma_wait3A_122 = tpu.memref_slice %arg6[%add3A_115] : memref<400000xf32, #tpu.memory_space<hbm>> -> memref<6160xf32, #tpu.memory_space<hbm>>
        %dma_wait3A_123 = tpu.memref_slice %arg6[%add3A_115] : memref<400000xf32, #tpu.memory_space<hbm>> -> memref<6160xf32, #tpu.memory_space<hbm>>
        %dma_wait3A_124 = arith.constant 0 : i32
        %dma_wait3A_125 = tpu.memref_slice %arg12[%dma_wait3A_124] : memref<6256xf32, #tpu.memory_space<vmem>> -> memref<6160xf32, #tpu.memory_space<vmem>>
        tpu.wait_dma2 semaphore(%run_scoped3A : memref<!tpu.dma_semaphore, #tpu.memory_space<semaphore_mem>>) src(%dma_wait3A_125 : memref<6160xf32, #tpu.memory_space<vmem>>) dst(%dma_wait3A_123 : memref<6160xf32, #tpu.memory_space<hbm>>)
        tpu.yield
      }) : () -> ()
    } else {
    }
    %mul3A_91 = arith.constant 2 : i32
    %mul3A_92 = arith.muli %mul3A_91, %arg0 : i32
    %add3A_93 = arith.constant 1 : i32
    %add3A_94 = arith.addi %mul3A_92, %add3A_93 : i32
    "tpu.region"() ({
      %run_scoped3A = tpu.sem_alloc : memref<!tpu.dma_semaphore, #tpu.memory_space<semaphore_mem>>
      %dma_start3A = tpu.memref_slice %arg15[%mul3A_10] : memref<100096xf32, #tpu.memory_space<vmem_shared>> -> memref<6256xf32, #tpu.memory_space<vmem_shared>>
      %dma_start3A_113 = tpu.memref_slice %arg15[%mul3A_10] : memref<100096xf32, #tpu.memory_space<vmem_shared>> -> memref<6256xf32, #tpu.memory_space<vmem_shared>>
      tpu.enqueue_dma source(%dma_start3A_113 : memref<6256xf32, #tpu.memory_space<vmem_shared>>) target(%arg12 : memref<6256xf32, #tpu.memory_space<vmem>>) target_semaphore(%run_scoped3A : memref<!tpu.dma_semaphore, #tpu.memory_space<semaphore_mem>>)
      %dma_wait3A = tpu.memref_slice %arg15[%mul3A_10] : memref<100096xf32, #tpu.memory_space<vmem_shared>> -> memref<6256xf32, #tpu.memory_space<vmem_shared>>
      %dma_wait3A_114 = tpu.memref_slice %arg15[%mul3A_10] : memref<100096xf32, #tpu.memory_space<vmem_shared>> -> memref<6256xf32, #tpu.memory_space<vmem_shared>>
      tpu.wait_dma2 semaphore(%run_scoped3A : memref<!tpu.dma_semaphore, #tpu.memory_space<semaphore_mem>>) src(%dma_wait3A_114 : memref<6256xf32, #tpu.memory_space<vmem_shared>>) dst(%arg12 : memref<6256xf32, #tpu.memory_space<vmem>>)
      tpu.yield
    }) : () -> ()
    "tpu.region"() ({
      %run_scoped3A = tpu.sem_alloc : memref<!tpu.dma_semaphore, #tpu.memory_space<semaphore_mem>>
      %dma_start3A = tpu.memref_slice %arg15[%mul3A_10] : memref<100096xf32, #tpu.memory_space<vmem_shared>> -> memref<6256xf32, #tpu.memory_space<vmem_shared>>
      %dma_start3A_113 = tpu.memref_slice %arg15[%mul3A_10] : memref<100096xf32, #tpu.memory_space<vmem_shared>> -> memref<6256xf32, #tpu.memory_space<vmem_shared>>
      tpu.enqueue_dma source(%arg13 : memref<6256xf32, #tpu.memory_space<vmem>>) target(%dma_start3A_113 : memref<6256xf32, #tpu.memory_space<vmem_shared>>) target_semaphore(%run_scoped3A : memref<!tpu.dma_semaphore, #tpu.memory_space<semaphore_mem>>)
      %dma_wait3A = tpu.memref_slice %arg15[%mul3A_10] : memref<100096xf32, #tpu.memory_space<vmem_shared>> -> memref<6256xf32, #tpu.memory_space<vmem_shared>>
      %dma_wait3A_114 = tpu.memref_slice %arg15[%mul3A_10] : memref<100096xf32, #tpu.memory_space<vmem_shared>> -> memref<6256xf32, #tpu.memory_space<vmem_shared>>
      tpu.wait_dma2 semaphore(%run_scoped3A : memref<!tpu.dma_semaphore, #tpu.memory_space<semaphore_mem>>) src(%arg13 : memref<6256xf32, #tpu.memory_space<vmem>>) dst(%dma_wait3A_114 : memref<6256xf32, #tpu.memory_space<vmem_shared>>)
      tpu.yield
    }) : () -> ()
    %scan3A_95 = arith.constant 0 : i32
    %scan3A_96 = arith.constant 0 : i32
    %scan3A_97 = arith.constant 391 : i32
    %scan3A_98 = arith.addi %scan3A_96, %scan3A_97 : i32
    %scan3A_99 = arith.constant 1 : i32
    %scan3A_100 = scf.for %scan3A_113 = %scan3A_96 to %scan3A_98 step %scan3A_99 iter_args(%scan3A_114 = %scan3A_95) -> (i32)  : i32 {
      %mul3A_115 = arith.constant 16 : i32
      %mul3A_116 = arith.muli %scan3A_113, %mul3A_115 : i32
      %get3A = arith.index_cast %mul3A_116 : i32 to index
      %get3A_117 = tpu.vector_load %arg12[%get3A] {strides = array<i32>} : memref<6256xf32, #tpu.memory_space<vmem>>, vector<16xf32>,
      %max3A = arith.constant 1.000000e+00 : f32
      %max3A_118 = vector.broadcast %max3A : f32 to vector<16xf32>
      %max3A_119 = arith.maximumf %get3A_117, %max3A_118 : vector<16xf32>
      %div3A = arith.divf %get3A_117, %max3A_119 : vector<16xf32>
      %mul3A_120 = arith.constant 16 : i32
      %mul3A_121 = arith.muli %scan3A_113, %mul3A_120 : i32
      %swap3A = arith.index_cast %mul3A_121 : i32 to index
      %swap3A_122 = tpu.vector_load %arg12[%swap3A] {strides = array<i32>} : memref<6256xf32, #tpu.memory_space<vmem>>, vector<16xf32>,
      tpu.vector_store %arg12[%swap3A], %div3A {strides = array<i32>} : memref<6256xf32, #tpu.memory_space<vmem>>, vector<16xf32>,
      %scan3A_123 = arith.constant 0 : i32
      scf.yield %scan3A_123 : i32
    }
    %scan3A_101 = arith.constant 391 : i32
    %lt3A_102 = arith.constant 15 : i32
    %lt3A_103 = arith.cmpi slt, %arg1, %lt3A_102 : i32
    %convert_element_type3A_104 = arith.extui %lt3A_103 : i1 to i32
    %cond3A_105 = arith.constant 0 : i32
    %cond3A_106 = arith.cmpi ne, %convert_element_type3A_104, %cond3A_105 : i32
    scf.if %cond3A_106 {
      %mul3A_113 = arith.constant 100000 : i32
      %mul3A_114 = arith.muli %add3A_94, %mul3A_113 : i32
      %add3A_115 = arith.addi %mul3A_114, %mul3A_10 : i32
      "tpu.region"() ({
        %run_scoped3A = tpu.sem_alloc : memref<!tpu.dma_semaphore, #tpu.memory_space<semaphore_mem>>
        %dma_start3A = tpu.memref_slice %arg6[%add3A_115] : memref<400000xf32, #tpu.memory_space<hbm>> -> memref<6256xf32, #tpu.memory_space<hbm>>
        %dma_start3A_116 = tpu.memref_slice %arg6[%add3A_115] : memref<400000xf32, #tpu.memory_space<hbm>> -> memref<6256xf32, #tpu.memory_space<hbm>>
        tpu.enqueue_dma source(%arg12 : memref<6256xf32, #tpu.memory_space<vmem>>) target(%dma_start3A_116 : memref<6256xf32, #tpu.memory_space<hbm>>) target_semaphore(%run_scoped3A : memref<!tpu.dma_semaphore, #tpu.memory_space<semaphore_mem>>)
        %dma_wait3A = tpu.memref_slice %arg6[%add3A_115] : memref<400000xf32, #tpu.memory_space<hbm>> -> memref<6256xf32, #tpu.memory_space<hbm>>
        %dma_wait3A_117 = tpu.memref_slice %arg6[%add3A_115] : memref<400000xf32, #tpu.memory_space<hbm>> -> memref<6256xf32, #tpu.memory_space<hbm>>
        tpu.wait_dma2 semaphore(%run_scoped3A : memref<!tpu.dma_semaphore, #tpu.memory_space<semaphore_mem>>) src(%arg12 : memref<6256xf32, #tpu.memory_space<vmem>>) dst(%dma_wait3A_117 : memref<6256xf32, #tpu.memory_space<hbm>>)
        tpu.yield
      }) : () -> ()
    } else {
    }
    %eq3A_107 = arith.constant 15 : i32
    %eq3A_108 = arith.cmpi eq, %arg1, %eq3A_107 : i32
    %convert_element_type3A_109 = arith.extui %eq3A_108 : i1 to i32
    %cond3A_110 = arith.constant 0 : i32
    %cond3A_111 = arith.cmpi ne, %convert_element_type3A_109, %cond3A_110 : i32
    scf.if %cond3A_111 {
      %mul3A_113 = arith.constant 100000 : i32
      %mul3A_114 = arith.muli %add3A_94, %mul3A_113 : i32
      %add3A_115 = arith.addi %mul3A_114, %mul3A_10 : i32
      "tpu.region"() ({
        %run_scoped3A = tpu.sem_alloc : memref<!tpu.dma_semaphore, #tpu.memory_space<semaphore_mem>>
        %dma_start3A = arith.constant 0 : i32
        %dma_start3A_116 = tpu.memref_slice %arg12[%dma_start3A] : memref<6256xf32, #tpu.memory_space<vmem>> -> memref<6160xf32, #tpu.memory_space<vmem>>
        %dma_start3A_117 = tpu.memref_slice %arg6[%add3A_115] : memref<400000xf32, #tpu.memory_space<hbm>> -> memref<6160xf32, #tpu.memory_space<hbm>>
        %dma_start3A_118 = tpu.memref_slice %arg6[%add3A_115] : memref<400000xf32, #tpu.memory_space<hbm>> -> memref<6160xf32, #tpu.memory_space<hbm>>
        %dma_start3A_119 = arith.constant 0 : i32
        %dma_start3A_120 = tpu.memref_slice %arg12[%dma_start3A_119] : memref<6256xf32, #tpu.memory_space<vmem>> -> memref<6160xf32, #tpu.memory_space<vmem>>
        tpu.enqueue_dma source(%dma_start3A_120 : memref<6160xf32, #tpu.memory_space<vmem>>) target(%dma_start3A_118 : memref<6160xf32, #tpu.memory_space<hbm>>) target_semaphore(%run_scoped3A : memref<!tpu.dma_semaphore, #tpu.memory_space<semaphore_mem>>)
        %dma_wait3A = arith.constant 0 : i32
        %dma_wait3A_121 = tpu.memref_slice %arg12[%dma_wait3A] : memref<6256xf32, #tpu.memory_space<vmem>> -> memref<6160xf32, #tpu.memory_space<vmem>>
        %dma_wait3A_122 = tpu.memref_slice %arg6[%add3A_115] : memref<400000xf32, #tpu.memory_space<hbm>> -> memref<6160xf32, #tpu.memory_space<hbm>>
        %dma_wait3A_123 = tpu.memref_slice %arg6[%add3A_115] : memref<400000xf32, #tpu.memory_space<hbm>> -> memref<6160xf32, #tpu.memory_space<hbm>>
        %dma_wait3A_124 = arith.constant 0 : i32
        %dma_wait3A_125 = tpu.memref_slice %arg12[%dma_wait3A_124] : memref<6256xf32, #tpu.memory_space<vmem>> -> memref<6160xf32, #tpu.memory_space<vmem>>
        tpu.wait_dma2 semaphore(%run_scoped3A : memref<!tpu.dma_semaphore, #tpu.memory_space<semaphore_mem>>) src(%dma_wait3A_125 : memref<6160xf32, #tpu.memory_space<vmem>>) dst(%dma_wait3A_123 : memref<6160xf32, #tpu.memory_space<hbm>>)
        tpu.yield
      }) : () -> ()
    } else {
    }
    %barrier3A_112 = arith.constant 0 : index
    tpu.barrier barrier_id(%barrier3A_112)
    return
  }
}

</mosaic_0001>

<sc_bundles>
// kernel: kernel.3.cloned.1.call-start
scs
__scs_entry_jumppad:
0x0: {  	(pc) =	sbr.rel $0x88, $3  }
0x1: {  	(tag) =	ssettag $0x0;
	lr =	simm.s32 $0x1  }
0x2: {  	[smem:$0x3F9E] =	sst lr;
	_ =	strace $0xD0000000  }
0x3: {  	_ = 	snop  }
0x4: {  	_ = 	snop  }
0x5: {  	_ = 	snop  }
0x6: {  	_ = 	snop  }
0x7: {  	_ = 	snop  }
__scs_overlays_trampoline_lowered:
0x8: {  	[smem:$0x3FAD] =	sst s0  }
0x9: {  	[smem:$0x3FAE] =	sst s1  }
0xa: {  	[smem:$0x3FAF] =	sst s2  }
0xb: {  	[smem:$0x3FB0] =	sst s3  }
0xc: {  	[smem:$0x3FB1] =	sst s4  }
0xd: {  	[smem:$0x3FB2] =	sst s5  }
0xe: {  	[smem:$0x3FB3] =	sst s6  }
0xf: {  	[smem:$0x3FB4] =	sst s7  }
0x10: {  	[smem:$0x3FB5] =	sst s8  }
0x11: {  	[smem:$0x3FB6] =	sst s9;
	s0 =	simm.s32 @!p0 $0x0  }
0x12: {  	s1 =	sld [smem:$0x3F9C];
	s0 =	simm.s32 @p0 $0x1  }
0x13: {  	[smem:$0x3FB7] =	sst s0;
	s0 =	simm.s32 @!p1 $0x0  }
0x14: {  	s2 =	sld [smem:$0x3F9B];
	s0 =	simm.s32 @p1 $0x1  }
0x15: {  	[smem:$0x3FB8] =	sst s0;
	s0 =	simm.s32 @!p2 $0x0  }
0x16: {  	s3 =	sld [smem:$0x3FDB];
	s0 =	simm.s32 @p2 $0x1  }
0x17: {  	s4 =	simm.s32 $0x1BF5;
	[smem:$0x3FBA] =	sst s0  }
0x18: {  	s0 =	sld [smem:$0x3F9D];
	_ =	swait.ge [sflag:s4], $0x0  }
0x19: {  	s7 =	sld [smem:$0x3F9E]  }
0x1a: {  	s8 =	sadd.s32 $0xFFFFE003, lr  }
0x1b: {  	s9 =	sadd.s32 $0xFFFFFEF7, lr;
	s5 =	simm.s32 $0xFFFFFFFF;
	p2 =	slt.u32 s8, $0xFFFFF086  }
0x1c: {  	p1 =	slt.u32 s9, $0xF7A;
	s5 =	simm.s32 @!p2 $0x0  }
0x1d: {  	s5 =	simm.s32 @p1 $0x1;
	p0 =	seq.s32 s7, s2  }
0x1e: {  	s7 =	smul.u32 @!p0 $0xF7A, s2;
	p2 =	seq.s32 @!p0 s5, $0x0  }
0x1f: {  	s9 =	smul.u32 $0xF7A, s1;
	s8 =	simm.s32 @!p0 $0x1BF5;
	p2 =	por !p2, p0  }
0x20: {  	[sflag:s8] =	ssyncset.s32 @!p0 $0xFFFFF086;
	s6 =	sadd.s32 @!p0 s3, s7;
	s7 =	simm.s32 @!p0 $0x108  }
0x21: {  	s3 =	sadd.s32 s3, s9;
	s6 =	sadd.s32 @!p0 $0x88, s6;
	s7 =	simm.s32 @p2 $0x1082  }
0x22: {  	[simem:s7], [sflag:s8] =	dma.local @!p0 [hbm:s6], $0xF7A  }
0x23: {  	s9 =	sor.u32 $0xD0000000, s2;
	s6 =	simm.s32 $0x108;
	_ =	swait.ge @!p0 [sflag:s8], $0x0  }
0x24: {  	s3 =	sadd.s32 $0x88, s3;
	s6 =	simm.s32 @!p1 $0x1082;
	[sflag:s4] =	ssyncset.s32 $0xFFFFF086  }
0x25: {  	[simem:s6], [sflag:s4] =	dma.local [hbm:s3], $0xF7A  }
0x26: {  	[smem:$0x3F9E] =	sst s1;
	(tag) =	ssettag s2;
	_ =	strace s9  }
0x27: {  	s1 =	sld [smem:$0x3FAE]  }
0x28: {  	s2 =	sld [smem:$0x3FAF]  }
0x29: {  	s4 =	sld [smem:$0x3FB1]  }
0x2a: {  	p0 =	seq.s32 s5, $0x0;
	s5 =	sld [smem:$0x3FB2]  }
0x2b: {  	s6 =	sld [smem:$0x3FB3]  }
0x2c: {  	s7 =	sld [smem:$0x3FB4]  }
0x2d: {  	s3 =	simm.s32 $0x108;
	s8 =	sld [smem:$0x3FB5]  }
0x2e: {  	s3 =	simm.s32 @!p0 $0x1082;
	s9 =	sld [smem:$0x3FB6]  }
0x2f: {  	lr =	sadd.s32 s0, s3;
	s0 =	sld [smem:$0x3FAD]  }
0x30: {  	s3 =	sld [smem:$0x3FB0]  }
0x31: {  	[smem:$0x3FB9] =	sst s10  }
0x32: {  	s10 =	sld [smem:$0x3FB7];
	_ =	sdelay $0x3  }
0x33: {  	p0 =	seq.s32 s10, $0x1;
	s10 =	sld [smem:$0x3FB9];
	_ =	sdelay $0x3  }
0x34: {  	[smem:$0x3FB9] =	sst s10  }
0x35: {  	s10 =	sld [smem:$0x3FB8];
	_ =	sdelay $0x3  }
0x36: {  	p1 =	seq.s32 s10, $0x1;
	s10 =	sld [smem:$0x3FB9];
	_ =	sdelay $0x3  }
0x37: {  	[smem:$0x3FB9] =	sst s10  }
0x38: {  	s10 =	sld [smem:$0x3FBA]  }
0x39: {  	_ = 	snop;
	(pc) =	sbr.ind lr, $3  }
0x3a: {  	_ = 	snop  }
0x3b: {  	_ = 	snop  }
0x3c: {  	p2 =	seq.s32 s10, $0x1;
	s10 =	sld [smem:$0x3FB9]  }
0x3d: {  	_ =	shalt  }
0x3e: {  	_ =	shalt  }
0x3f: {  	_ =	shalt  }
0x40: {  	_ =	shalt  }
0x41: {  	_ =	shalt  }
0x42: {  	_ =	shalt  }
0x43: {  	_ =	shalt  }
0x44: {  	_ =	shalt  }
0x45: {  	_ =	shalt  }
0x46: {  	_ =	shalt  }
0x47: {  	_ =	shalt  }
0x48: {  	_ =	shalt  }
0x49: {  	_ =	shalt  }
0x4a: {  	_ =	shalt  }
0x4b: {  	_ =	shalt  }
0x4c: {  	_ =	shalt  }
0x4d: {  	_ =	shalt  }
0x4e: {  	_ =	shalt  }
0x4f: {  	_ =	shalt  }
0x50: {  	_ =	shalt  }
0x51: {  	_ =	shalt  }
0x52: {  	_ =	shalt  }
0x53: {  	_ =	shalt  }
0x54: {  	_ =	shalt  }
0x55: {  	_ =	shalt  }
0x56: {  	_ =	shalt  }
0x57: {  	_ =	shalt  }
0x58: {  	_ =	shalt  }
0x59: {  	_ =	shalt  }
0x5a: {  	_ =	shalt  }
0x5b: {  	_ =	shalt  }
0x5c: {  	_ =	shalt  }
0x5d: {  	_ =	shalt  }
0x5e: {  	_ =	shalt  }
0x5f: {  	_ =	shalt  }
0x60: {  	_ =	shalt  }
0x61: {  	_ =	shalt  }
0x62: {  	_ =	shalt  }
0x63: {  	_ =	shalt  }
0x64: {  	_ =	shalt  }
0x65: {  	_ =	shalt  }
0x66: {  	_ =	shalt  }
0x67: {  	_ =	shalt  }
0x68: {  	_ =	shalt  }
0x69: {  	_ =	shalt  }
0x6a: {  	_ =	shalt  }
0x6b: {  	_ =	shalt  }
0x6c: {  	_ =	shalt  }
0x6d: {  	_ =	shalt  }
0x6e: {  	_ =	shalt  }
0x6f: {  	_ =	shalt  }
0x70: {  	_ =	shalt  }
0x71: {  	_ =	shalt  }
0x72: {  	_ =	shalt  }
0x73: {  	_ =	shalt  }
0x74: {  	_ =	shalt  }
0x75: {  	_ =	shalt  }
0x76: {  	_ =	shalt  }
0x77: {  	_ =	shalt  }
0x78: {  	_ =	shalt  }
0x79: {  	_ =	shalt  }
0x7a: {  	_ =	shalt  }
0x7b: {  	_ =	shalt  }
0x7c: {  	_ =	shalt  }
0x7d: {  	_ =	shalt  }
0x7e: {  	_ =	shalt  }
0x7f: {  	_ =	shalt  }
0x80: {  	_ =	shalt  }
0x81: {  	_ =	shalt  }
0x82: {  	_ =	shalt  }
0x83: {  	_ =	shalt  }
0x84: {  	_ =	shalt  }
0x85: {  	_ =	shalt  }
0x86: {  	_ =	shalt  }
0x87: {  	_ =	shalt  }
.Lfunc_end0:
.L_simem_size_0:
called_computation_lowered:
.L_overlay_start_0:
0x88: {  	s2 =	sld [smem:$0x3FD9]  }
0x89: {  	s3 =	sld [smem:$0x3FFE];
	_ =	sdelay $0x1  }
0x8a: {  	s1 =	srdreg.scid  }
0x8b: {  	s0 =	sand.u32 $0x1, s1  }
0x8c: {  	s17 =	sshll.u32 s0, $0xA;
	s2 =	sadd.s32 s3, s2  }
0x8d: {  	s2 =	sadd.s32 s2, s17  }
0x8e: {  	[smem:$0x3FC5] =	sst s2  }
0x8f: {  	_ = 	snop  }
0x90: {  	s2 =	sld [smem:$0x3FC7]  }
0x91: {  	s18 =	sld [smem:$0x3FD0];
	(tm) =	ssettm $0x1  }
0x92: {  	s4 =	sld [smem:$0x3FFB];
	_ =	sdelay $0x3  }
0x93: {  	_ =	strace s4  }
0x94: {  	s4 =	sld [smem:$0x3FFC];
	_ =	sdelay $0x3  }
0x95: {  	_ =	strace s4  }
0x96: {  	s4 =	sld [smem:$0x3FFD];
	_ =	sdelay $0x3  }
0x97: {  	_ =	strace s4  }
0x98: {  	_ =	strace $0x8FFFFFFF  }
0x99: {  	s19 =	sld [smem:$0x3FDB];
	_ =	sdelay $0x1  }
0x9a: {  	s5 =	simm.s32 $_scs_section_size  }
0x9b: {  	s6 =	simm.s32 $_size__tile_overlayer_lowered;
	s7 =	simm.s32 $_tile_overlayer_lowered  }
0x9c: {  	s22 =	simm.s32 $0x1BFF;
	s21 =	sshll.u32 s7, $0x1;
	s4 =	sadd.s32 s5, s19  }
0x9d: {  	s8 =	simm.s32 $0x0;
	s20 =	sshll.u32 s6, $0x1;
	s6 =	sadd.s32 s21, s4  }
0x9e: {  	[timem:s8], [sflag:s22] =	dma.local [hbm:s6], s20  }
0x9f: {  	_ =	swait.ge [sflag:s22], s20  }
0xa0: {  	s5 =	ssub.s32 $0x0, s20;
	[sflag:s22] =	ssyncset.done $0x0  }
0xa1: {  	[sflag:s22] =	ssyncadd.s32 s5;
	_ =	sdelay $0x1  }
0xa2: {  	s23 =	simm.s32 $0x1B8B  }
0xa3: {  	_ =	swait.ge [sflag:s23], $0x1  }
0xa4: {  	[sflag:s23] =	ssyncset.done $0x0  }
0xa5: {  	s25 =	simm.s32 $0x1B8E;
	s24 =	sld [smem:$0x3FFE];
	[sflag:s23] =	ssyncadd.s32 $0xFFFFFFFF  }
0xa6: {  	s26 =	simm.s32 $execute0_lowered;
	[smem:$0x3FD2] =	sst s25  }
0xa7: {  	s6 =	sshll.u32 s26, $0x1;
	_ =	strace $0x80000046;
	[dreg:$0x1] =	wrdreg $0xFFFFFFFF  }
0xa8: {  	s28 =	simm.s32 $_size_execute0_lowered;
	s4 =	sadd.s32 s4, s6;
	[dreg:$0x0] =	wrdreg $0x0  }
0xa9: {  	s6 =	sshll.u32 s28, $0x1;
	[dreg:$0x2] =	wrdreg s4  }
0xaa: {  	[dreg:$0x3] =	wrdreg s6  }
0xab: {  	[dreg:$0x4] =	wrdreg $0xC0  }
0xac: {  	_ =	task [dreg:s8], $0x5FFFF  }
0xad: {  	[dreg:$0x1] =	wrdreg $0xFFFFFFFF  }
0xae: {  	[dreg:$0x0] =	wrdreg $0x60  }
0xaf: {  	[dreg:$0x2] =	wrdreg s18  }
0xb0: {  	[dreg:$0x3] =	wrdreg s24  }
0xb1: {  	[dreg:$0x4] =	wrdreg s2  }
0xb2: {  	[dreg:$0x5] =	wrdreg $0x1CC000  }
0xb3: {  	[dreg:$0x6] =	wrdreg $0x1E4700  }
0xb4: {  	[dreg:$0x7] =	wrdreg $0x9  }
0xb5: {  	_ =	task.clear_ibuf [dreg:s8], $0x8FFFF;
	_ =	strace $0x90000046  }
0xb6: {  	s29 =	simm.s32 $0x9;
	_ =	strace $0x80000048  }
0xb7: {  	_ =	swait.ge [sflag:s29], $0x1  }
0xb8: {  	[sflag:s29] =	ssyncadd.s32 $0xFFFFFFFF  }
0xb9: {  	_ =	strace $0x90000048  }
0xba: {  	_ =	sfence  }
0xbb: {  	s30 =	sld [smem:$0x0];
	_ =	sdelay $0x2  }
0xbc: {  	s31 =	sshll.u32 s1, $0xD;
	s1 =	sshrl.u32 s1, $0x2  }
0xbd: {  	s3 =	sand.u32 $0x4000, s31;
	s1 =	sadd.s32 s1, s30  }
0xbe: {  	s0 =	sor.u32 s3, s0;
	s1 =	sshll.u32 s1, $0x11  }
0xbf: {  	s0 =	sor.u32 s1, s0  }
0xc0: {  	s0 =	sadd.s32 $0x8F2B, s0  }
0xc1: {  	[sflag:s0] =	ssyncadd.remote.s32 $0x1  }
0xc2: {  	_ =	sfence.sel $0xFFFF  }
0xc3: {  	[dreg:$0x0] =	wrdreg $0xFFFFFFFF;
	(pc) =	sbr.abs _section_cstart, $3  }
0xc4: {  	[dreg:$0x1] =	wrdreg $0xFFFFFFFF  }
0xc5: {  	_ =	task.clear_ibuf [dreg:s8], $0x2FFFF;
	_ =	strace $0x9FFFFFFF  }
0xc6: {  	(tm) =	ssettm $0x7FFFFFFF  }
0xc7: {  	_ =	shalt  }
tec
execute0_lowered:
.L_overlay_start_1:
0x0: {  	(tag) =	ssettag $0x1  }
0x1: {  	s11 =	rddreg [dreg:$0x0]  }
0x2: {  	s5 =	rddreg [dreg:$0x1]  }
0x3: {  	s1 =	rddreg [dreg:$0x2]  }
0x4: {  	s2 =	rddreg [dreg:$0x3]  }
0x5: {  	s3 =	rddreg [dreg:$0x4];
	s4 =	simm.s32 $0x0;
	s6 =	srdreg.scid  }
0x6: {  	s0 =	stileid.u32;
	s20 =	simm.s32 $0x1;
	s21 =	simm.s32 $0x18B00  }
0x7: {  	s22 =	simm.s32 $0x18F00;
	s24 =	simm.s32 $0x0;
	[smem:$0x7FF] =	sst s4  }
0x8: {  	s8 =	sand.u32 $0x1, s6;
	s6 =	sadd.s32 $0x62200, s5;
	s7 =	sadd.s32 $0x600, s5  }
0x9: {  	s17 =	sadd.s32 $0xC3E00, s5;
	s23 =	sand.u32 $0x1, s0;
	s13 =	smul.u32 $0x1870, s0  }
0xa: {  	p1 =	seq.s32 s0, $0xF;
	_ =	strace $0x80000047;
	s9 =	ssub.s32 $0x2, s8  }
0xb: {  	s12 =	sshll.u32 s8, $0x1;
	s14 =	smul.u32 $0x30D40, s8;
	s8 =	sshrl.u32 s0, $0x1  }
0xc: {  	p0 =	seq.s32 s23, $0x0;
	s10 =	sshrl.u32 s9, $0x1;
	s12 =	sor.u32 s23, s12  }
0xd: {  	s23 =	simm.s32 $0x19B00;
	s18 =	ssub.s32 s9, s10;
	s9 =	sadd.s32 s13, s2  }
0xe: {  	s19 =	smul.u32 $0x30D4, s12;
	s10 =	sadd.s32 s13, s3;
	s13 =	sadd.s32 s13, s14  }
0xf: {  	s14 =	sshrl.u32 s14, $0x3;
	s12 =	smul.u32 $0x61A800, s12;
	s13 =	sshrl.u32 s13, $0x3  }
0x10: {  	s16 =	sadd.s32 s17, s14;
	s18 =	smax.u32 s18, $0x1;
	s11 =	sadd.s32 s11, s19  }
0x11: {  	s13 =	sadd.s32 s17, s13;
	s14 =	sadd.s32 $0x2DD2, s16;
	s16 =	sadd.s32 $0x5EA6, s16  }
0x12: {  	v0 =	vimm.f32 $0.0e+00;
	s17 =	sadd.s32 s17, s19;
	s19 =	simm.s32 $0x1B380;
	s15 =	sadd.s32 $0x30D4, s13  }
.LBB2_1:
0x13: {  	s25 =	simm.s32 $0x40;
	s26 =	simm.s32 $0x0  }
.LBB2_2:
0x14: {  	p2 =	sne.s32 s25, $0x6180;
	[tilespmem:s26+$0x1B380] =	vst v0;
	s26 =	smov.u32 s25;
	s25 =	sadd.s32 $0x40, s25  }
.Ltmp0:
0x15: {  	(pc) =	sbr.rel @p2 .LBB2_2-.Ltmp0, $2  }
0x16: {  	_ =	sdelay $0x2  }
0x17: {  	s26 =	sshra.s32 s26, $0x2  }
0x18: {  	[tilespmem:s26+$0x1B380] =	vst v0  }
0x19: {  	[spmem:s9] =	stream.linear.scatter [tilespmem:s19], [sflag:$0x1], $0x1870, $0x38;
	[tilespmem:$0x1FCE0] =	vst v63  }
0x1a: {  	_ =	swait.ge [sflag:s20], $0x1870  }
0x1b: {  	[sflag:s20] =	ssyncset.done $0x0  }
0x1c: {  	[sflag:s20] =	ssyncadd.s32 $0xFFFFE790  }
0x1d: {  	[spmem:s10] =	stream.linear.scatter [tilespmem:s19], [sflag:$0x1], $0x1870, $0x38;
	[tilespmem:$0x1FCE0] =	vst v63  }
0x1e: {  	_ =	swait.ge [sflag:s20], $0x1870  }
0x1f: {  	[sflag:s20] =	ssyncset.done $0x0  }
0x20: {  	[sflag:s20] =	ssyncadd.s32 $0xFFFFE790  }
.Ltmp1:
0x21: {  	s25 =	simm.s32 $0x0;
	[bflag:$0x0] =	sbarrier.arrive $0xFFFF;
	(pc) =	sbr.rel .LBB2_4-.Ltmp1, $4  }
0x22: {  	[tilespmem:s25], [sflag:$0x1] =	stream.linear.gather [hbm4b:s11+s25], $0x186A0, $0x38;
	[tilespmem:$0x1FCE0] =	vst v63  }
0x23: {  	_ =	swait.ge [sflag:s20], $0x186A0  }
0x24: {  	[sflag:s20] =	ssyncset.done $0x0  }
0x25: {  	[sflag:s20] =	ssyncadd.s32 $0xFFFE7960  }
.LBB2_8:
0x26: {  	s25 =	sadd.s32 $0x1, s25  }
0x27: {  	p2 =	sne.s32 s25, $0x187  }
.Ltmp2:
0x28: {  	_ = 	snop;
	(pc) =	sbr.rel @!p2 .LBB2_9-.Ltmp2, $1  }
0x29: {  	_ =	sdelay $0x3  }
.LBB2_4:
0x2a: {  	s26 =	sshll.u32 s25, $0x3  }
0x2b: {  	s28 =	sor.u32 s8, s26  }
0x2c: {  	p2 =	sgt.u32 s28, $0xC34  }
.Ltmp3:
0x2d: {  	_ = 	snop;
	(pc) =	sbr.rel @p2 .LBB2_8-.Ltmp3, $1  }
0x2e: {  	_ =	sdelay $0x3  }
0x2f: {  	s29 =	sshll.u32 s28, $0x7  }
0x30: {  	s26 =	simm.s32 $0x0;
	s31 =	simm.s32 $0x18700;
	s30 =	sadd.s32 s6, s29  }
0x31: {  	[tilespmem:s31], [sflag:$0x1] =	stream.linear.gather [hbm4b:s30+s26], $0x400, $0x38;
	[tilespmem:$0x1FCE0] =	vst v63  }
0x32: {  	_ =	swait.ge [sflag:s20], $0x400  }
0x33: {  	[sflag:s20] =	ssyncset.done $0x0  }
0x34: {  	s28 =	sshll.u32 s28, $0xB;
	s29 =	sadd.s32 s7, s29;
	[sflag:s20] =	ssyncadd.s32 $0xFFFFFC00  }
0x35: {  	[tilespmem:s21], [sflag:$0x1] =	stream.linear.gather [hbm4b:s29+s26], $0x400, $0x38;
	[tilespmem:$0x1FCE0] =	vst v63  }
0x36: {  	s28 =	sadd.s32 s12, s28;
	_ =	swait.ge [sflag:s20], $0x400  }
0x37: {  	s28 =	sshrl.u32 s28, $0x3;
	[sflag:s20] =	ssyncset.done $0x0  }
0x38: {  	s28 =	sadd.s32 s1, s28;
	[sflag:s20] =	ssyncadd.s32 $0xFFFFFC00  }
0x39: {  	[tilespmem:s22], [sflag:$0x1] =	stream.linear.gather [hbm4b:s28+s26], $0x800, $0x38;
	[tilespmem:$0x1FCE0] =	vst v63  }
0x3a: {  	_ =	swait.ge [sflag:s20], $0x800  }
0x3b: {  	[sflag:s20] =	ssyncset.done $0x0  }
0x3c: {  	[sflag:s20] =	ssyncadd.s32 $0xFFFFF800  }
0x3d: {  	v1 =	vld [tilespmem:s31+$0x0];
	_ =	sdelay $0x4  }
0x3e: {  	s29 =	sand.u32 $0x700, s26;
	s28 =	sand.u32 $0x70, s26  }
0x3f: {  	s28 =	sor.u32 s28, s29  }
0x40: {  	v2 =	vld [tilespmem:s28+$0x18F00]  }
0x41: {  	v1 =	vld.idx.msk [tilespmem:v1+s4+$0x0], $0xffff;
	_ =	sdelay $0x4  }
0x42: {  	v1 =	vmul.f32 v1, v2  }
0x43: {  	s28 =	simm.s32 $0x19700  }
0x44: {  	s29 =	simm.s32 $0x18710;
	[tilespmem:s28+$0x0] =	vst v1  }
0x45: {  	s30 =	simm.s32 $0x10;
	s31 =	simm.s32 $0x20;
	v1 =	vld [tilespmem:s29+$0x0]  }
.LBB2_6:
0x46: {  	p2 =	sne.s32 s31, $0x3F0;
	_ =	sdelay $0x4  }
0x47: {  	s26 =	sadd.s32 $0x20, s26  }
0x48: {  	s0 =	sand.u32 $0x70, s30;
	s30 =	smov.u32 s31;
	s5 =	sand.u32 $0x700, s26  }
0x49: {  	s0 =	sor.u32 s0, s5;
	v1 =	vld.idx.msk [tilespmem:v1+s4+$0x0], $0xffff  }
0x4a: {  	v2 =	vld [tilespmem:s0+$0x18F00];
	_ =	sdelay $0x3  }
.Ltmp4:
0x4b: {  	(pc) =	sbr.rel @p2 .LBB2_6-.Ltmp4, $4  }
0x4c: {  	v1 =	vmul.f32 v1, v2  }
0x4d: {  	s28 =	sadd.s32 $0x10, s28  }
0x4e: {  	s29 =	sadd.s32 $0x10, s29;
	[tilespmem:s28+$0x0] =	vst v1  }
0x4f: {  	s31 =	sadd.s32 $0x10, s31;
	v1 =	vld [tilespmem:s29+$0x0]  }
0x50: {  	_ =	sdelay $0x3  }
0x51: {  	s0 =	sadd.s32 $0x20, s26  }
0x52: {  	s5 =	sand.u32 $0x70, s30;
	s0 =	sand.u32 $0x700, s0  }
0x53: {  	s0 =	sor.u32 s5, s0  }
0x54: {  	v2 =	vld [tilespmem:s0+$0x18F00]  }
0x55: {  	v1 =	vld.idx.msk [tilespmem:v1+s4+$0x0], $0xffff;
	_ =	sdelay $0x4  }
0x56: {  	v1 =	vmul.f32 v1, v2  }
0x57: {  	s31 =	sadd.s32 $0x10, s28  }
0x58: {  	s26 =	simm.s32 @p0 $0x19700;
	s5 =	simm.s32 @p0 $0x18B00;
	s0 =	simm.s32 @p0 $0x80;
	[tilespmem:s31+$0x0] =	vst v1  }
0x59: {  	[spmem:s2] =	stream.indirect.scatter.add.f32 @p0 [tilespmem:s26], [sflag:$0x2], $0x1, s5, s0, $0xb8;
	[tilespmem:$0x1FCE0] =	vst v63  }
0x5a: {  	s5 =	simm.s32 @p0 $0x2  }
0x5b: {  	_ =	swait.ge @p0 [sflag:s5], $0x80  }
0x5c: {  	[sflag:s5] =	ssyncset.done @p0 $0x0  }
0x5d: {  	s28 =	simm.s32 @p0 $0x19780;
	s26 =	simm.s32 @p0 $0x18B80;
	[sflag:s5] =	ssyncadd.s32 @p0 $0xFFFFFF80  }
0x5e: {  	[spmem:s2] =	stream.indirect.scatter.add.f32 @p0 [tilespmem:s28], [sflag:$0x2], $0x1, s26, s0, $0xb8;
	[tilespmem:$0x1FCE0] =	vst v63  }
0x5f: {  	_ =	swait.ge @p0 [sflag:s5], $0x80  }
0x60: {  	[sflag:s5] =	ssyncset.done @p0 $0x0  }
0x61: {  	s26 =	simm.s32 @p0 $0x18C00;
	s28 =	simm.s32 @p0 $0x19800;
	[sflag:s5] =	ssyncadd.s32 @p0 $0xFFFFFF80  }
0x62: {  	[spmem:s2] =	stream.indirect.scatter.add.f32 @p0 [tilespmem:s28], [sflag:$0x2], $0x1, s26, s0, $0xb8;
	[tilespmem:$0x1FCE0] =	vst v63  }
0x63: {  	_ =	swait.ge @p0 [sflag:s5], $0x80  }
0x64: {  	[sflag:s5] =	ssyncset.done @p0 $0x0  }
0x65: {  	s26 =	simm.s32 @p0 $0x18C80;
	s28 =	simm.s32 @p0 $0x19880;
	[sflag:s5] =	ssyncadd.s32 @p0 $0xFFFFFF80  }
0x66: {  	[spmem:s2] =	stream.indirect.scatter.add.f32 @p0 [tilespmem:s28], [sflag:$0x2], $0x1, s26, s0, $0xb8;
	[tilespmem:$0x1FCE0] =	vst v63  }
0x67: {  	_ =	swait.ge @p0 [sflag:s5], $0x80  }
0x68: {  	[sflag:s5] =	ssyncset.done @p0 $0x0  }
0x69: {  	s26 =	simm.s32 @p0 $0x18D00;
	s28 =	simm.s32 @p0 $0x19900;
	[sflag:s5] =	ssyncadd.s32 @p0 $0xFFFFFF80  }
0x6a: {  	[spmem:s2] =	stream.indirect.scatter.add.f32 @p0 [tilespmem:s28], [sflag:$0x2], $0x1, s26, s0, $0xb8;
	[tilespmem:$0x1FCE0] =	vst v63  }
0x6b: {  	_ =	swait.ge @p0 [sflag:s5], $0x80  }
0x6c: {  	[sflag:s5] =	ssyncset.done @p0 $0x0  }
0x6d: {  	s26 =	simm.s32 @p0 $0x18D80;
	s28 =	simm.s32 @p0 $0x19980;
	[sflag:s5] =	ssyncadd.s32 @p0 $0xFFFFFF80  }
0x6e: {  	[spmem:s2] =	stream.indirect.scatter.add.f32 @p0 [tilespmem:s28], [sflag:$0x2], $0x1, s26, s0, $0xb8;
	[tilespmem:$0x1FCE0] =	vst v63  }
0x6f: {  	_ =	swait.ge @p0 [sflag:s5], $0x80  }
0x70: {  	[sflag:s5] =	ssyncset.done @p0 $0x0  }
0x71: {  	s26 =	simm.s32 @p0 $0x18E00;
	s28 =	simm.s32 @p0 $0x19A00;
	[sflag:s5] =	ssyncadd.s32 @p0 $0xFFFFFF80  }
0x72: {  	[spmem:s2] =	stream.indirect.scatter.add.f32 @p0 [tilespmem:s28], [sflag:$0x2], $0x1, s26, s0, $0xb8;
	[tilespmem:$0x1FCE0] =	vst v63  }
0x73: {  	_ =	swait.ge @p0 [sflag:s5], $0x80  }
0x74: {  	[sflag:s5] =	ssyncset.done @p0 $0x0  }
0x75: {  	s26 =	simm.s32 @p0 $0x19A80;
	[sflag:s5] =	ssyncadd.s32 @p0 $0xFFFFFF80;
	s5 =	simm.s32 @p0 $0x18E80  }
0x76: {  	[spmem:s2] =	stream.indirect.scatter.add.f32 @p0 [tilespmem:s26], [sflag:$0x2], $0x1, s5, s0, $0xb8;
	[tilespmem:$0x1FCE0] =	vst v63  }
0x77: {  	s0 =	simm.s32 @!p0 $0x80;
	s5 =	simm.s32 @!p0 $0x18B00;
	s26 =	simm.s32 @!p0 $0x19700  }
0x78: {  	[spmem:s3] =	stream.indirect.scatter.add.f32 @!p0 [tilespmem:s26], [sflag:$0x1], $0x1, s5, s0, $0xb8;
	[tilespmem:$0x1FCE0] =	vst v63  }
0x79: {  	s5 =	simm.s32 @!p0 $0x1  }
0x7a: {  	_ =	swait.ge @!p0 [sflag:s5], $0x80  }
0x7b: {  	[sflag:s5] =	ssyncset.done @!p0 $0x0  }
0x7c: {  	s28 =	simm.s32 @!p0 $0x19780;
	s26 =	simm.s32 @!p0 $0x18B80;
	[sflag:s5] =	ssyncadd.s32 @!p0 $0xFFFFFF80  }
0x7d: {  	[spmem:s3] =	stream.indirect.scatter.add.f32 @!p0 [tilespmem:s28], [sflag:$0x1], $0x1, s26, s0, $0xb8;
	[tilespmem:$0x1FCE0] =	vst v63  }
0x7e: {  	_ =	swait.ge @!p0 [sflag:s5], $0x80  }
0x7f: {  	[sflag:s5] =	ssyncset.done @!p0 $0x0  }
0x80: {  	s26 =	simm.s32 @!p0 $0x18C00;
	s28 =	simm.s32 @!p0 $0x19800;
	[sflag:s5] =	ssyncadd.s32 @!p0 $0xFFFFFF80  }
0x81: {  	[spmem:s3] =	stream.indirect.scatter.add.f32 @!p0 [tilespmem:s28], [sflag:$0x1], $0x1, s26, s0, $0xb8;
	[tilespmem:$0x1FCE0] =	vst v63  }
0x82: {  	_ =	swait.ge @!p0 [sflag:s5], $0x80  }
0x83: {  	[sflag:s5] =	ssyncset.done @!p0 $0x0  }
0x84: {  	s26 =	simm.s32 @!p0 $0x18C80;
	s28 =	simm.s32 @!p0 $0x19880;
	[sflag:s5] =	ssyncadd.s32 @!p0 $0xFFFFFF80  }
0x85: {  	[spmem:s3] =	stream.indirect.scatter.add.f32 @!p0 [tilespmem:s28], [sflag:$0x1], $0x1, s26, s0, $0xb8;
	[tilespmem:$0x1FCE0] =	vst v63  }
0x86: {  	_ =	swait.ge @!p0 [sflag:s5], $0x80  }
0x87: {  	[sflag:s5] =	ssyncset.done @!p0 $0x0  }
0x88: {  	s26 =	simm.s32 @!p0 $0x18D00;
	s28 =	simm.s32 @!p0 $0x19900;
	[sflag:s5] =	ssyncadd.s32 @!p0 $0xFFFFFF80  }
0x89: {  	[spmem:s3] =	stream.indirect.scatter.add.f32 @!p0 [tilespmem:s28], [sflag:$0x1], $0x1, s26, s0, $0xb8;
	[tilespmem:$0x1FCE0] =	vst v63  }
0x8a: {  	_ =	swait.ge @!p0 [sflag:s5], $0x80  }
0x8b: {  	[sflag:s5] =	ssyncset.done @!p0 $0x0  }
0x8c: {  	s26 =	simm.s32 @!p0 $0x18D80;
	s28 =	simm.s32 @!p0 $0x19980;
	[sflag:s5] =	ssyncadd.s32 @!p0 $0xFFFFFF80  }
0x8d: {  	[spmem:s3] =	stream.indirect.scatter.add.f32 @!p0 [tilespmem:s28], [sflag:$0x1], $0x1, s26, s0, $0xb8;
	[tilespmem:$0x1FCE0] =	vst v63  }
0x8e: {  	_ =	swait.ge @!p0 [sflag:s5], $0x80  }
0x8f: {  	[sflag:s5] =	ssyncset.done @!p0 $0x0  }
0x90: {  	s26 =	simm.s32 @!p0 $0x18E00;
	s28 =	simm.s32 @!p0 $0x19A00;
	[sflag:s5] =	ssyncadd.s32 @!p0 $0xFFFFFF80  }
0x91: {  	[spmem:s3] =	stream.indirect.scatter.add.f32 @!p0 [tilespmem:s28], [sflag:$0x1], $0x1, s26, s0, $0xb8;
	[tilespmem:$0x1FCE0] =	vst v63  }
0x92: {  	_ =	swait.ge @!p0 [sflag:s5], $0x80  }
0x93: {  	s26 =	simm.s32 @!p0 $0x18E80;
	s28 =	simm.s32 @!p0 $0x19A80;
	[sflag:s5] =	ssyncset.done @!p0 $0x0  }
.Ltmp5:
0x94: {  	[sflag:s5] =	ssyncadd.s32 @!p0 $0xFFFFFF80;
	s5 =	simm.s32 @p0 $0x2;
	(pc) =	sbr.rel .LBB2_8-.Ltmp5, $4  }
0x95: {  	[spmem:s3] =	stream.indirect.scatter.add.f32 @!p0 [tilespmem:s28], [sflag:$0x1], $0x1, s26, s0, $0xb8;
	[tilespmem:$0x1FCE0] =	vst v63  }
0x96: {  	_ =	swait.ge [sflag:s5], $0x80  }
0x97: {  	[sflag:s5] =	ssyncset.done $0x0  }
0x98: {  	[sflag:s5] =	ssyncadd.s32 $0xFFFFFF80  }
.LBB2_9:
0x99: {  	[bflag:$0x0] =	sbarrier.arrive $0xFFFF  }
0x9a: {  	[tilespmem:s23], [sflag:$0x1] =	stream.linear.gather [spmem:s9], $0x1870, $0x38;
	[tilespmem:$0x1FCE0] =	vst v63  }
0x9b: {  	_ =	swait.ge [sflag:s20], $0x1870  }
0x9c: {  	[sflag:s20] =	ssyncset.done $0x0  }
0x9d: {  	[sflag:s20] =	ssyncadd.s32 $0xFFFFE790  }
0x9e: {  	[spmem:s9] =	stream.linear.scatter [tilespmem:s19], [sflag:$0x1], $0x1870, $0x38;
	[tilespmem:$0x1FCE0] =	vst v63  }
0x9f: {  	_ =	swait.ge [sflag:s20], $0x1870  }
0xa0: {  	[sflag:s20] =	ssyncset.done $0x0  }
0xa1: {  	s25 =	simm.s32 $0x0;
	s26 =	simm.s32 $0x40;
	[sflag:s20] =	ssyncadd.s32 $0xFFFFE790  }
.LBB2_10:
0xa2: {  	p2 =	sne.s32 s26, $0x6180;
	v1 =	vld [tilespmem:s25+$0x19B00];
	_ =	sdelay $0x4  }
0xa3: {  	v2 =	vmax.f32 v1, $1.000000000e+00  }
0xa4: {  	(erf) = vrcp.f32 v2;
	_ =	sdelay $0x7  }
.Ltmp6:
0xa5: {  	(pc) =	sbr.rel @p2 .LBB2_10-.Ltmp6, $3  }
0xa6: {  	v2 =	vpop (erf)  }
0xa7: {  	v1 =	vmul.f32 v2, v1;
	_ =	sdelay $0x1  }
0xa8: {  	[tilespmem:s25+$0x19B00] =	vst v1;
	s25 =	sshra.s32 s26, $0x2;
	s26 =	sadd.s32 $0x40, s26  }
0xa9: {  	v1 =	vld [tilespmem:s25+$0x19B00];
	_ =	sdelay $0x4  }
0xaa: {  	v2 =	vmax.f32 v1, $1.000000000e+00  }
0xab: {  	(erf) = vrcp.f32 v2;
	_ =	sdelay $0x8  }
0xac: {  	v2 =	vpop (erf)  }
0xad: {  	v1 =	vmul.f32 v2, v1;
	_ =	sdelay $0x1  }
0xae: {  	s0 =	simm.s32 @p1 $0x0;
	s5 =	simm.s32 @p1 $0x19B00;
	[tilespmem:s25+$0x19B00] =	vst v1  }
0xaf: {  	[hbm4b:s14+s0] =	stream.linear.scatter @p1 [tilespmem:s5], [sflag:$0x1], $0x1810, $0x38;
	[tilespmem:$0x1FCE0] =	vst v63  }
0xb0: {  	s0 =	simm.s32 @p1 $0x1  }
0xb1: {  	_ =	swait.ge @p1 [sflag:s0], $0x1810  }
0xb2: {  	[sflag:s0] =	ssyncset.done @p1 $0x0  }
0xb3: {  	s5 =	simm.s32 @!p1 $0x19B00;
	[sflag:s0] =	ssyncadd.s32 @p1 $0xFFFFE7F0;
	s0 =	simm.s32 @!p1 $0x0  }
0xb4: {  	[hbm4b:s13+s0] =	stream.linear.scatter @!p1 [tilespmem:s5], [sflag:$0x1], $0x1870, $0x38;
	[tilespmem:$0x1FCE0] =	vst v63  }
0xb5: {  	s0 =	simm.s32 @!p1 $0x1  }
0xb6: {  	_ =	swait.ge @!p1 [sflag:s0], $0x1870  }
0xb7: {  	[sflag:s0] =	ssyncset.done @!p1 $0x0  }
0xb8: {  	[sflag:s0] =	ssyncadd.s32 @!p1 $0xFFFFE790  }
0xb9: {  	[tilespmem:s23], [sflag:$0x1] =	stream.linear.gather [spmem:s10], $0x1870, $0x38;
	[tilespmem:$0x1FCE0] =	vst v63  }
0xba: {  	_ =	swait.ge [sflag:s20], $0x1870  }
0xbb: {  	[sflag:s20] =	ssyncset.done $0x0  }
0xbc: {  	[sflag:s20] =	ssyncadd.s32 $0xFFFFE790  }
0xbd: {  	[spmem:s10] =	stream.linear.scatter [tilespmem:s19], [sflag:$0x1], $0x1870, $0x38;
	[tilespmem:$0x1FCE0] =	vst v63  }
0xbe: {  	_ =	swait.ge [sflag:s20], $0x1870  }
0xbf: {  	[sflag:s20] =	ssyncset.done $0x0  }
0xc0: {  	s26 =	simm.s32 $0x40;
	s25 =	simm.s32 $0x0;
	[sflag:s20] =	ssyncadd.s32 $0xFFFFE790  }
.LBB2_12:
0xc1: {  	p2 =	sne.s32 s26, $0x6180;
	v1 =	vld [tilespmem:s25+$0x19B00];
	_ =	sdelay $0x4  }
0xc2: {  	v2 =	vmax.f32 v1, $1.000000000e+00  }
0xc3: {  	(erf) = vrcp.f32 v2;
	_ =	sdelay $0x7  }
.Ltmp7:
0xc4: {  	(pc) =	sbr.rel @p2 .LBB2_12-.Ltmp7, $3  }
0xc5: {  	v2 =	vpop (erf)  }
0xc6: {  	v1 =	vmul.f32 v2, v1;
	_ =	sdelay $0x1  }
0xc7: {  	[tilespmem:s25+$0x19B00] =	vst v1;
	s25 =	sshra.s32 s26, $0x2;
	s26 =	sadd.s32 $0x40, s26  }
0xc8: {  	v1 =	vld [tilespmem:s25+$0x19B00];
	_ =	sdelay $0x4  }
0xc9: {  	v2 =	vmax.f32 v1, $1.000000000e+00  }
0xca: {  	(erf) = vrcp.f32 v2;
	_ =	sdelay $0x8  }
0xcb: {  	v2 =	vpop (erf)  }
0xcc: {  	v1 =	vmul.f32 v2, v1;
	_ =	sdelay $0x1  }
0xcd: {  	s0 =	simm.s32 @p1 $0x0;
	s5 =	simm.s32 @p1 $0x19B00;
	[tilespmem:s25+$0x19B00] =	vst v1  }
0xce: {  	[hbm4b:s16+s0] =	stream.linear.scatter @p1 [tilespmem:s5], [sflag:$0x1], $0x1810, $0x38;
	[tilespmem:$0x1FCE0] =	vst v63  }
0xcf: {  	s0 =	simm.s32 @p1 $0x1  }
0xd0: {  	_ =	swait.ge @p1 [sflag:s0], $0x1810  }
0xd1: {  	[sflag:s0] =	ssyncset.done @p1 $0x0  }
0xd2: {  	s5 =	simm.s32 @!p1 $0x19B00;
	[sflag:s0] =	ssyncadd.s32 @p1 $0xFFFFE7F0;
	s0 =	simm.s32 @!p1 $0x0  }
0xd3: {  	[hbm4b:s15+s0] =	stream.linear.scatter @!p1 [tilespmem:s5], [sflag:$0x1], $0x1870, $0x38;
	[tilespmem:$0x1FCE0] =	vst v63  }
0xd4: {  	s0 =	simm.s32 @!p1 $0x1  }
0xd5: {  	_ =	swait.ge @!p1 [sflag:s0], $0x1870  }
0xd6: {  	[sflag:s0] =	ssyncset.done @!p1 $0x0  }
0xd7: {  	[sflag:s0] =	ssyncadd.s32 @!p1 $0xFFFFE790  }
.Ltmp8:
0xd8: {  	s25 =	simm.s32 $0x0;
	[bflag:$0x0] =	sbarrier.arrive $0xFFFF;
	(pc) =	sbr.rel .LBB2_14-.Ltmp8, $4  }
0xd9: {  	[tilespmem:s25], [sflag:$0x1] =	stream.linear.gather [hbm4b:s17+s25], $0x186A0, $0x38;
	[tilespmem:$0x1FCE0] =	vst v63  }
0xda: {  	_ =	swait.ge [sflag:s20], $0x186A0  }
0xdb: {  	[sflag:s20] =	ssyncset.done $0x0  }
0xdc: {  	[sflag:s20] =	ssyncadd.s32 $0xFFFE7960  }
.LBB2_18:
0xdd: {  	s25 =	sadd.s32 $0x1, s25  }
0xde: {  	p2 =	sne.s32 s25, $0x187  }
.Ltmp9:
0xdf: {  	_ = 	snop;
	(pc) =	sbr.rel @!p2 .LBB2_19-.Ltmp9, $1  }
0xe0: {  	_ =	sdelay $0x3  }
.LBB2_14:
0xe1: {  	s0 =	sshll.u32 s25, $0x3  }
0xe2: {  	s28 =	sor.u32 s8, s0  }
0xe3: {  	p2 =	sgt.u32 s28, $0xC34  }
.Ltmp10:
0xe4: {  	_ = 	snop;
	(pc) =	sbr.rel @p2 .LBB2_18-.Ltmp10, $1  }
0xe5: {  	_ =	sdelay $0x3  }
0xe6: {  	s0 =	sshll.u32 s28, $0x7  }
0xe7: {  	s26 =	simm.s32 $0x0;
	s29 =	simm.s32 $0x18700;
	s5 =	sadd.s32 s6, s0  }
0xe8: {  	[tilespmem:s29], [sflag:$0x1] =	stream.linear.gather [hbm4b:s5+s26], $0x400, $0x38;
	[tilespmem:$0x1FCE0] =	vst v63  }
0xe9: {  	_ =	swait.ge [sflag:s20], $0x400  }
0xea: {  	[sflag:s20] =	ssyncset.done $0x0  }
0xeb: {  	s0 =	sadd.s32 s7, s0;
	s5 =	sshll.u32 s28, $0xB;
	[sflag:s20] =	ssyncadd.s32 $0xFFFFFC00  }
0xec: {  	[tilespmem:s21], [sflag:$0x1] =	stream.linear.gather [hbm4b:s0+s26], $0x400, $0x38;
	[tilespmem:$0x1FCE0] =	vst v63  }
0xed: {  	s5 =	sadd.s32 s12, s5;
	_ =	swait.ge [sflag:s20], $0x400  }
0xee: {  	s0 =	sshrl.u32 s5, $0x3;
	[sflag:s20] =	ssyncset.done $0x0  }
0xef: {  	s0 =	sadd.s32 s1, s0;
	[sflag:s20] =	ssyncadd.s32 $0xFFFFFC00  }
0xf0: {  	[tilespmem:s22], [sflag:$0x1] =	stream.linear.gather [hbm4b:s0+s26], $0x800, $0x38;
	[tilespmem:$0x1FCE0] =	vst v63  }
0xf1: {  	_ =	swait.ge [sflag:s20], $0x800  }
0xf2: {  	[sflag:s20] =	ssyncset.done $0x0  }
0xf3: {  	[sflag:s20] =	ssyncadd.s32 $0xFFFFF800  }
0xf4: {  	v1 =	vld [tilespmem:s29+$0x0];
	_ =	sdelay $0x4  }
0xf5: {  	s5 =	sand.u32 $0x700, s26;
	s0 =	sand.u32 $0x70, s26  }
0xf6: {  	s0 =	sor.u32 s0, s5  }
0xf7: {  	v2 =	vld [tilespmem:s0+$0x18F80]  }
0xf8: {  	v1 =	vld.idx.msk [tilespmem:v1+s4+$0x0], $0xffff;
	_ =	sdelay $0x4  }
0xf9: {  	v1 =	vmul.f32 v1, v2  }
0xfa: {  	s28 =	simm.s32 $0x19700  }
0xfb: {  	s29 =	simm.s32 $0x18710;
	[tilespmem:s28+$0x0] =	vst v1  }
0xfc: {  	s30 =	simm.s32 $0x10;
	s31 =	simm.s32 $0x20;
	v1 =	vld [tilespmem:s29+$0x0]  }
.LBB2_16:
0xfd: {  	p2 =	sne.s32 s31, $0x3F0;
	_ =	sdelay $0x4  }
0xfe: {  	s26 =	sadd.s32 $0x20, s26  }
0xff: {  	s0 =	sand.u32 $0x70, s30;
	s30 =	smov.u32 s31;
	s5 =	sand.u32 $0x700, s26  }
0x100: {  	s0 =	sor.u32 s0, s5;
	v1 =	vld.idx.msk [tilespmem:v1+s4+$0x0], $0xffff  }
0x101: {  	v2 =	vld [tilespmem:s0+$0x18F80];
	_ =	sdelay $0x3  }
.Ltmp11:
0x102: {  	(pc) =	sbr.rel @p2 .LBB2_16-.Ltmp11, $4  }
0x103: {  	v1 =	vmul.f32 v1, v2  }
0x104: {  	s28 =	sadd.s32 $0x10, s28  }
0x105: {  	s29 =	sadd.s32 $0x10, s29;
	[tilespmem:s28+$0x0] =	vst v1  }
0x106: {  	s31 =	sadd.s32 $0x10, s31;
	v1 =	vld [tilespmem:s29+$0x0]  }
0x107: {  	_ =	sdelay $0x3  }
0x108: {  	s0 =	sadd.s32 $0x20, s26  }
0x109: {  	s5 =	sand.u32 $0x70, s30;
	s0 =	sand.u32 $0x700, s0  }
0x10a: {  	s0 =	sor.u32 s5, s0  }
0x10b: {  	v2 =	vld [tilespmem:s0+$0x18F80]  }
0x10c: {  	v1 =	vld.idx.msk [tilespmem:v1+s4+$0x0], $0xffff;
	_ =	sdelay $0x4  }
0x10d: {  	v1 =	vmul.f32 v1, v2  }
0x10e: {  	s31 =	sadd.s32 $0x10, s28  }
0x10f: {  	s26 =	simm.s32 @p0 $0x19700;
	s5 =	simm.s32 @p0 $0x18B00;
	s0 =	simm.s32 @p0 $0x80;
	[tilespmem:s31+$0x0] =	vst v1  }
0x110: {  	[spmem:s2] =	stream.indirect.scatter.add.f32 @p0 [tilespmem:s26], [sflag:$0x2], $0x1, s5, s0, $0xb8;
	[tilespmem:$0x1FCE0] =	vst v63  }
0x111: {  	s5 =	simm.s32 @p0 $0x2  }
0x112: {  	_ =	swait.ge @p0 [sflag:s5], $0x80  }
0x113: {  	[sflag:s5] =	ssyncset.done @p0 $0x0  }
0x114: {  	s28 =	simm.s32 @p0 $0x19780;
	s26 =	simm.s32 @p0 $0x18B80;
	[sflag:s5] =	ssyncadd.s32 @p0 $0xFFFFFF80  }
0x115: {  	[spmem:s2] =	stream.indirect.scatter.add.f32 @p0 [tilespmem:s28], [sflag:$0x2], $0x1, s26, s0, $0xb8;
	[tilespmem:$0x1FCE0] =	vst v63  }
0x116: {  	_ =	swait.ge @p0 [sflag:s5], $0x80  }
0x117: {  	[sflag:s5] =	ssyncset.done @p0 $0x0  }
0x118: {  	s26 =	simm.s32 @p0 $0x18C00;
	s28 =	simm.s32 @p0 $0x19800;
	[sflag:s5] =	ssyncadd.s32 @p0 $0xFFFFFF80  }
0x119: {  	[spmem:s2] =	stream.indirect.scatter.add.f32 @p0 [tilespmem:s28], [sflag:$0x2], $0x1, s26, s0, $0xb8;
	[tilespmem:$0x1FCE0] =	vst v63  }
0x11a: {  	_ =	swait.ge @p0 [sflag:s5], $0x80  }
0x11b: {  	[sflag:s5] =	ssyncset.done @p0 $0x0  }
0x11c: {  	s26 =	simm.s32 @p0 $0x18C80;
	s28 =	simm.s32 @p0 $0x19880;
	[sflag:s5] =	ssyncadd.s32 @p0 $0xFFFFFF80  }
0x11d: {  	[spmem:s2] =	stream.indirect.scatter.add.f32 @p0 [tilespmem:s28], [sflag:$0x2], $0x1, s26, s0, $0xb8;
	[tilespmem:$0x1FCE0] =	vst v63  }
0x11e: {  	_ =	swait.ge @p0 [sflag:s5], $0x80  }
0x11f: {  	[sflag:s5] =	ssyncset.done @p0 $0x0  }
0x120: {  	s26 =	simm.s32 @p0 $0x18D00;
	s28 =	simm.s32 @p0 $0x19900;
	[sflag:s5] =	ssyncadd.s32 @p0 $0xFFFFFF80  }
0x121: {  	[spmem:s2] =	stream.indirect.scatter.add.f32 @p0 [tilespmem:s28], [sflag:$0x2], $0x1, s26, s0, $0xb8;
	[tilespmem:$0x1FCE0] =	vst v63  }
0x122: {  	_ =	swait.ge @p0 [sflag:s5], $0x80  }
0x123: {  	[sflag:s5] =	ssyncset.done @p0 $0x0  }
0x124: {  	s26 =	simm.s32 @p0 $0x18D80;
	s28 =	simm.s32 @p0 $0x19980;
	[sflag:s5] =	ssyncadd.s32 @p0 $0xFFFFFF80  }
0x125: {  	[spmem:s2] =	stream.indirect.scatter.add.f32 @p0 [tilespmem:s28], [sflag:$0x2], $0x1, s26, s0, $0xb8;
	[tilespmem:$0x1FCE0] =	vst v63  }
0x126: {  	_ =	swait.ge @p0 [sflag:s5], $0x80  }
0x127: {  	[sflag:s5] =	ssyncset.done @p0 $0x0  }
0x128: {  	s26 =	simm.s32 @p0 $0x18E00;
	s28 =	simm.s32 @p0 $0x19A00;
	[sflag:s5] =	ssyncadd.s32 @p0 $0xFFFFFF80  }
0x129: {  	[spmem:s2] =	stream.indirect.scatter.add.f32 @p0 [tilespmem:s28], [sflag:$0x2], $0x1, s26, s0, $0xb8;
	[tilespmem:$0x1FCE0] =	vst v63  }
0x12a: {  	_ =	swait.ge @p0 [sflag:s5], $0x80  }
0x12b: {  	[sflag:s5] =	ssyncset.done @p0 $0x0  }
0x12c: {  	s26 =	simm.s32 @p0 $0x19A80;
	[sflag:s5] =	ssyncadd.s32 @p0 $0xFFFFFF80;
	s5 =	simm.s32 @p0 $0x18E80  }
0x12d: {  	[spmem:s2] =	stream.indirect.scatter.add.f32 @p0 [tilespmem:s26], [sflag:$0x2], $0x1, s5, s0, $0xb8;
	[tilespmem:$0x1FCE0] =	vst v63  }
0x12e: {  	s0 =	simm.s32 @!p0 $0x80;
	s5 =	simm.s32 @!p0 $0x18B00;
	s26 =	simm.s32 @!p0 $0x19700  }
0x12f: {  	[spmem:s3] =	stream.indirect.scatter.add.f32 @!p0 [tilespmem:s26], [sflag:$0x1], $0x1, s5, s0, $0xb8;
	[tilespmem:$0x1FCE0] =	vst v63  }
0x130: {  	s5 =	simm.s32 @!p0 $0x1  }
0x131: {  	_ =	swait.ge @!p0 [sflag:s5], $0x80  }
0x132: {  	[sflag:s5] =	ssyncset.done @!p0 $0x0  }
0x133: {  	s28 =	simm.s32 @!p0 $0x19780;
	s26 =	simm.s32 @!p0 $0x18B80;
	[sflag:s5] =	ssyncadd.s32 @!p0 $0xFFFFFF80  }
0x134: {  	[spmem:s3] =	stream.indirect.scatter.add.f32 @!p0 [tilespmem:s28], [sflag:$0x1], $0x1, s26, s0, $0xb8;
	[tilespmem:$0x1FCE0] =	vst v63  }
0x135: {  	_ =	swait.ge @!p0 [sflag:s5], $0x80  }
0x136: {  	[sflag:s5] =	ssyncset.done @!p0 $0x0  }
0x137: {  	s26 =	simm.s32 @!p0 $0x18C00;
	s28 =	simm.s32 @!p0 $0x19800;
	[sflag:s5] =	ssyncadd.s32 @!p0 $0xFFFFFF80  }
0x138: {  	[spmem:s3] =	stream.indirect.scatter.add.f32 @!p0 [tilespmem:s28], [sflag:$0x1], $0x1, s26, s0, $0xb8;
	[tilespmem:$0x1FCE0] =	vst v63  }
0x139: {  	_ =	swait.ge @!p0 [sflag:s5], $0x80  }
0x13a: {  	[sflag:s5] =	ssyncset.done @!p0 $0x0  }
0x13b: {  	s26 =	simm.s32 @!p0 $0x18C80;
	s28 =	simm.s32 @!p0 $0x19880;
	[sflag:s5] =	ssyncadd.s32 @!p0 $0xFFFFFF80  }
0x13c: {  	[spmem:s3] =	stream.indirect.scatter.add.f32 @!p0 [tilespmem:s28], [sflag:$0x1], $0x1, s26, s0, $0xb8;
	[tilespmem:$0x1FCE0] =	vst v63  }
0x13d: {  	_ =	swait.ge @!p0 [sflag:s5], $0x80  }
0x13e: {  	[sflag:s5] =	ssyncset.done @!p0 $0x0  }
0x13f: {  	s26 =	simm.s32 @!p0 $0x18D00;
	s28 =	simm.s32 @!p0 $0x19900;
	[sflag:s5] =	ssyncadd.s32 @!p0 $0xFFFFFF80  }
0x140: {  	[spmem:s3] =	stream.indirect.scatter.add.f32 @!p0 [tilespmem:s28], [sflag:$0x1], $0x1, s26, s0, $0xb8;
	[tilespmem:$0x1FCE0] =	vst v63  }
0x141: {  	_ =	swait.ge @!p0 [sflag:s5], $0x80  }
0x142: {  	[sflag:s5] =	ssyncset.done @!p0 $0x0  }
0x143: {  	s26 =	simm.s32 @!p0 $0x18D80;
	s28 =	simm.s32 @!p0 $0x19980;
	[sflag:s5] =	ssyncadd.s32 @!p0 $0xFFFFFF80  }
0x144: {  	[spmem:s3] =	stream.indirect.scatter.add.f32 @!p0 [tilespmem:s28], [sflag:$0x1], $0x1, s26, s0, $0xb8;
	[tilespmem:$0x1FCE0] =	vst v63  }
0x145: {  	_ =	swait.ge @!p0 [sflag:s5], $0x80  }
0x146: {  	[sflag:s5] =	ssyncset.done @!p0 $0x0  }
0x147: {  	s26 =	simm.s32 @!p0 $0x18E00;
	s28 =	simm.s32 @!p0 $0x19A00;
	[sflag:s5] =	ssyncadd.s32 @!p0 $0xFFFFFF80  }
0x148: {  	[spmem:s3] =	stream.indirect.scatter.add.f32 @!p0 [tilespmem:s28], [sflag:$0x1], $0x1, s26, s0, $0xb8;
	[tilespmem:$0x1FCE0] =	vst v63  }
0x149: {  	_ =	swait.ge @!p0 [sflag:s5], $0x80  }
0x14a: {  	s26 =	simm.s32 @!p0 $0x18E80;
	s28 =	simm.s32 @!p0 $0x19A80;
	[sflag:s5] =	ssyncset.done @!p0 $0x0  }
.Ltmp12:
0x14b: {  	[sflag:s5] =	ssyncadd.s32 @!p0 $0xFFFFFF80;
	s5 =	simm.s32 @p0 $0x2;
	(pc) =	sbr.rel .LBB2_18-.Ltmp12, $4  }
0x14c: {  	[spmem:s3] =	stream.indirect.scatter.add.f32 @!p0 [tilespmem:s28], [sflag:$0x1], $0x1, s26, s0, $0xb8;
	[tilespmem:$0x1FCE0] =	vst v63  }
0x14d: {  	_ =	swait.ge [sflag:s5], $0x80  }
0x14e: {  	[sflag:s5] =	ssyncset.done $0x0  }
0x14f: {  	[sflag:s5] =	ssyncadd.s32 $0xFFFFFF80  }
.LBB2_19:
0x150: {  	[bflag:$0x0] =	sbarrier.arrive $0xFFFF  }
0x151: {  	[tilespmem:s23], [sflag:$0x1] =	stream.linear.gather [spmem:s9], $0x1870, $0x38;
	[tilespmem:$0x1FCE0] =	vst v63  }
0x152: {  	_ =	swait.ge [sflag:s20], $0x1870  }
0x153: {  	[sflag:s20] =	ssyncset.done $0x0  }
0x154: {  	[sflag:s20] =	ssyncadd.s32 $0xFFFFE790  }
0x155: {  	[spmem:s9] =	stream.linear.scatter [tilespmem:s19], [sflag:$0x1], $0x1870, $0x38;
	[tilespmem:$0x1FCE0] =	vst v63  }
0x156: {  	_ =	swait.ge [sflag:s20], $0x1870  }
0x157: {  	[sflag:s20] =	ssyncset.done $0x0  }
0x158: {  	s25 =	simm.s32 $0x0;
	s26 =	simm.s32 $0x40;
	[sflag:s20] =	ssyncadd.s32 $0xFFFFE790  }
.LBB2_20:
0x159: {  	p2 =	sne.s32 s26, $0x6180;
	v1 =	vld [tilespmem:s25+$0x19B00];
	_ =	sdelay $0x4  }
0x15a: {  	v2 =	vmax.f32 v1, $1.000000000e+00  }
0x15b: {  	(erf) = vrcp.f32 v2;
	_ =	sdelay $0x7  }
.Ltmp13:
0x15c: {  	(pc) =	sbr.rel @p2 .LBB2_20-.Ltmp13, $3  }
0x15d: {  	v2 =	vpop (erf)  }
0x15e: {  	v1 =	vmul.f32 v2, v1;
	_ =	sdelay $0x1  }
0x15f: {  	[tilespmem:s25+$0x19B00] =	vst v1;
	s25 =	sshra.s32 s26, $0x2;
	s26 =	sadd.s32 $0x40, s26  }
0x160: {  	v1 =	vld [tilespmem:s25+$0x19B00];
	_ =	sdelay $0x4  }
0x161: {  	v2 =	vmax.f32 v1, $1.000000000e+00  }
0x162: {  	(erf) = vrcp.f32 v2;
	_ =	sdelay $0x8  }
0x163: {  	v2 =	vpop (erf)  }
0x164: {  	v1 =	vmul.f32 v2, v1;
	_ =	sdelay $0x1  }
0x165: {  	s0 =	simm.s32 @p1 $0x0;
	s5 =	simm.s32 @p1 $0x19B00;
	[tilespmem:s25+$0x19B00] =	vst v1  }
0x166: {  	[hbm4b:s14+s0] =	stream.linear.scatter @p1 [tilespmem:s5], [sflag:$0x1], $0x1810, $0x38;
	[tilespmem:$0x1FCE0] =	vst v63  }
0x167: {  	s0 =	simm.s32 @p1 $0x1  }
0x168: {  	_ =	swait.ge @p1 [sflag:s0], $0x1810  }
0x169: {  	[sflag:s0] =	ssyncset.done @p1 $0x0  }
0x16a: {  	s5 =	simm.s32 @!p1 $0x19B00;
	[sflag:s0] =	ssyncadd.s32 @p1 $0xFFFFE7F0;
	s0 =	simm.s32 @!p1 $0x0  }
0x16b: {  	[hbm4b:s13+s0] =	stream.linear.scatter @!p1 [tilespmem:s5], [sflag:$0x1], $0x1870, $0x38;
	[tilespmem:$0x1FCE0] =	vst v63  }
0x16c: {  	s0 =	simm.s32 @!p1 $0x1  }
0x16d: {  	_ =	swait.ge @!p1 [sflag:s0], $0x1870  }
0x16e: {  	[sflag:s0] =	ssyncset.done @!p1 $0x0  }
0x16f: {  	[sflag:s0] =	ssyncadd.s32 @!p1 $0xFFFFE790  }
0x170: {  	[tilespmem:s23], [sflag:$0x1] =	stream.linear.gather [spmem:s10], $0x1870, $0x38;
	[tilespmem:$0x1FCE0] =	vst v63  }
0x171: {  	_ =	swait.ge [sflag:s20], $0x1870  }
0x172: {  	[sflag:s20] =	ssyncset.done $0x0  }
0x173: {  	[sflag:s20] =	ssyncadd.s32 $0xFFFFE790  }
0x174: {  	[spmem:s10] =	stream.linear.scatter [tilespmem:s19], [sflag:$0x1], $0x1870, $0x38;
	[tilespmem:$0x1FCE0] =	vst v63  }
0x175: {  	_ =	swait.ge [sflag:s20], $0x1870  }
0x176: {  	[sflag:s20] =	ssyncset.done $0x0  }
0x177: {  	s26 =	simm.s32 $0x40;
	s25 =	simm.s32 $0x0;
	[sflag:s20] =	ssyncadd.s32 $0xFFFFE790  }
.LBB2_22:
0x178: {  	p2 =	sne.s32 s26, $0x6180;
	v1 =	vld [tilespmem:s25+$0x19B00];
	_ =	sdelay $0x4  }
0x179: {  	v2 =	vmax.f32 v1, $1.000000000e+00  }
0x17a: {  	(erf) = vrcp.f32 v2;
	_ =	sdelay $0x7  }
.Ltmp14:
0x17b: {  	(pc) =	sbr.rel @p2 .LBB2_22-.Ltmp14, $3  }
0x17c: {  	v2 =	vpop (erf)  }
0x17d: {  	v1 =	vmul.f32 v2, v1;
	_ =	sdelay $0x1  }
0x17e: {  	[tilespmem:s25+$0x19B00] =	vst v1;
	s25 =	sshra.s32 s26, $0x2;
	s26 =	sadd.s32 $0x40, s26  }
0x17f: {  	v1 =	vld [tilespmem:s25+$0x19B00];
	_ =	sdelay $0x4  }
0x180: {  	v2 =	vmax.f32 v1, $1.000000000e+00  }
0x181: {  	(erf) = vrcp.f32 v2;
	_ =	sdelay $0x8  }
0x182: {  	v2 =	vpop (erf)  }
0x183: {  	v1 =	vmul.f32 v2, v1;
	_ =	sdelay $0x1  }
0x184: {  	s0 =	simm.s32 @p1 $0x0;
	s5 =	simm.s32 @p1 $0x19B00;
	[tilespmem:s25+$0x19B00] =	vst v1  }
0x185: {  	[hbm4b:s16+s0] =	stream.linear.scatter @p1 [tilespmem:s5], [sflag:$0x1], $0x1810, $0x38;
	[tilespmem:$0x1FCE0] =	vst v63  }
0x186: {  	s0 =	simm.s32 @p1 $0x1  }
0x187: {  	_ =	swait.ge @p1 [sflag:s0], $0x1810  }
0x188: {  	s24 =	sadd.s32 $0x1, s24;
	[sflag:s0] =	ssyncset.done @p1 $0x0  }
0x189: {  	s5 =	simm.s32 @!p1 $0x19B00;
	[sflag:s0] =	ssyncadd.s32 @p1 $0xFFFFE7F0;
	s0 =	simm.s32 @!p1 $0x0  }
0x18a: {  	[hbm4b:s15+s0] =	stream.linear.scatter @!p1 [tilespmem:s5], [sflag:$0x1], $0x1870, $0x38;
	[tilespmem:$0x1FCE0] =	vst v63  }
0x18b: {  	p2 =	sne.s32 s24, s18;
	s0 =	simm.s32 @!p1 $0x1  }
.Ltmp15:
0x18c: {  	_ =	swait.ge @!p1 [sflag:s0], $0x1870;
	(pc) =	sbr.rel @p2 .LBB2_1-.Ltmp15, $3  }
0x18d: {  	[sflag:s0] =	ssyncset.done @!p1 $0x0  }
0x18e: {  	[sflag:s0] =	ssyncadd.s32 @!p1 $0xFFFFE790  }
0x18f: {  	[bflag:$0x0] =	sbarrier.arrive $0xFFFF;
	_ =	sdelay $0x1  }
0x190: {  	_ =	sfence.sel $0x180000  }
0x191: {  	[bflag:$0x0] =	sbarrier.arrive $0xFFFF  }
0x192: {  	_ =	strace $0x90000047  }
0x193: {  	s0 =	stileid.u32;
	[bflag:$0x2] =	sbarrier.arrive $0xFFFF  }
0x194: {  	p0 =	sne.s32 s0, $0x0;
	s0 =	rddreg [dreg:$0x5]  }
0x195: {  	s0 =	sadd.s32 @!p0 $0x100000, s0  }
0x196: {  	[sflag:s0] =	ssyncadd.tile.s32 @!p0 $0x1;
	_ =	shalt  }
.Lfunc_end2:
_tile_overlayer_lowered:
.L_overlay_start_2:
0x197: {  	(tag) =	ssettag $0x2  }
0x198: {  	s0 =	rddreg [dreg:$0x0];
	s2 =	stileid.u32  }
0x199: {  	s1 =	rddreg [dreg:$0x1];
	p0 =	sne.s32 s2, $0x0  }
0x19a: {  	s3 =	rddreg [dreg:$0x2];
	[bflag:$0x3] =	sbarrier.arrive $0xFFFF;
	s2 =	simm.s32 @!p0 $0x1C01  }
0x19b: {  	[timem:s3], [sflag:s2] =	dma.local @!p0 [hbm:s0], s1  }
0x19c: {  	s0 =	simm.s32 @!p0 $0x1  }
0x19d: {  	_ =	swait.ge @!p0 [sflag:s0], s1  }
0x19e: {  	s1 =	ssub.s32 @!p0 $0x0, s1;
	[sflag:s0] =	ssyncset.done @!p0 $0x0  }
0x19f: {  	[sflag:s0] =	ssyncadd.s32 @!p0 s1  }
0x1a0: {  	[bflag:$0x3] =	sbarrier.arrive $0xFFFF  }
0x1a1: {  	_ =	shalt  }

</sc_bundles>
